<compile_context>
chip_gen: v7x
topology: tpu7x:2x2x1
jax: 0.10.2.dev20260603
libtpu: 0.0.44.dev20260713+nightly
codegen_flags: <defaults>
</compile_context>

<pallas_src>
import functools

import jax
import jax.numpy as jnp
from jax import lax
from jax.experimental import pallas as pl
from jax.experimental.pallas import tpu as pltpu
from jax.experimental.pallas import tpu_sc as plsc

NC = 2
NS = 16
NW = NC * NS

VOCAB = 100000
D = 1024
B_FLAT = 4 * 8192
B_PER_W = B_FLAT // NW
CHUNK = 16
PAIR = 2 * CHUNK
NPAIR = B_PER_W // PAIR
W_PER_ROW = 8192 // B_PER_W


def _gather_body(table_hbm, idx_hbm, out_hbm, idx_v, rows_v,
                 gsem0, gsem1, osem0, osem1):
    wid = lax.axis_index("s") * NC + lax.axis_index("c")
    base = wid * B_PER_W
    row = wid // W_PER_ROW
    col = (wid % W_PER_ROW) * B_PER_W
    pltpu.sync_copy(idx_hbm.at[row, pl.ds(col, B_PER_W)], idx_v)

    gsem = (gsem0, gsem1)
    osem = (osem0, osem1)

    def half(parity):
        return rows_v.at[pl.ds(parity * PAIR, PAIR)]

    def pair(p, parity, waited):
        i0 = 2 * p
        if waited:
            pltpu.make_async_copy(
                half(parity),
                out_hbm.at[pl.ds(base + (p - 2) * PAIR, PAIR)],
                osem[parity]).wait()
        g0 = pltpu.async_copy(
            table_hbm.at[idx_v.at[pl.ds(i0 * CHUNK, CHUNK)]],
            rows_v.at[pl.ds(parity * PAIR, CHUNK)], gsem[0])
        g1 = pltpu.async_copy(
            table_hbm.at[idx_v.at[pl.ds((i0 + 1) * CHUNK, CHUNK)]],
            rows_v.at[pl.ds(parity * PAIR + CHUNK, CHUNK)], gsem[1])
        g0.wait()
        g1.wait()
        pltpu.async_copy(half(parity),
                         out_hbm.at[pl.ds(base + p * PAIR, PAIR)],
                         osem[parity])

    pair(0, 0, waited=False)
    pair(1, 1, waited=False)

    @pl.loop(2, NPAIR, step=2)
    def _middle(pv):
        for dp in range(2):
            pair(pv + dp, dp, waited=True)

    for parity, p in ((0, NPAIR - 2), (1, NPAIR - 1)):
        pltpu.make_async_copy(
            half(parity),
            out_hbm.at[pl.ds(base + p * PAIR, PAIR)],
            osem[parity]).wait()


@functools.partial(jax.jit, static_argnames=())
def _sc_gather(wte, ids2d):
    mesh = plsc.VectorSubcoreMesh(
        core_axis_name="c", subcore_axis_name="s",
        num_cores=NC, num_subcores=NS,
    )
    return pl.kernel(
        _gather_body,
        out_type=jax.ShapeDtypeStruct((B_FLAT, D), jnp.float32),
        mesh=mesh,
        scratch_types=[
            pltpu.VMEM((B_PER_W,), jnp.int32),
            pltpu.VMEM((2 * PAIR, D), jnp.float32),
            pltpu.SemaphoreType.DMA,
            pltpu.SemaphoreType.DMA,
            pltpu.SemaphoreType.DMA,
            pltpu.SemaphoreType.DMA,
        ],
    )(wte, ids2d)


def _mask_body(am_ref, out_ref):
    m = am_ref[...].astype(jnp.bfloat16)
    out_ref[...] = (1.0 - m) * jnp.finfo(jnp.bfloat16).min


def _mask_expand(attention_mask):
    b, s = attention_mask.shape
    return pl.pallas_call(
        _mask_body,
        out_shape=jax.ShapeDtypeStruct((b, s), jnp.bfloat16),
    )(attention_mask)


def kernel(input_ids, attention_mask, wte):
    input_shape = input_ids.shape
    hidden = _sc_gather(wte, input_ids)
    hidden = hidden.reshape(*input_shape, D)
    batch = input_ids.reshape(-1, input_shape[-1]).shape[0]
    am = _mask_expand(attention_mask.reshape(batch, -1))
    am = am[:, None, None, :]
    return (hidden, am)

# --- scband reference (transcript-rebuilt; emitter-appended) ---
"""Pipeline reference for scband-embedding-module-85487029060010 (READ-ONLY COPY).

The authoritative reference and input builder live on the scoring server;
editing this copy changes nothing except your own understanding.
"""

import jax, jax.numpy as jnp
import numpy as np

VOCAB = 100000
N_EMBD = 1024
BATCH = 4
SEQ = 8192

def setup_inputs(seed: int = 0) -> dict:
    key = jax.random.key(seed)
    k1, k2 = jax.random.split(key)
    input_ids = jax.random.randint(k1, (BATCH, SEQ), 0, VOCAB, dtype=jnp.int32)
    attention_mask = jnp.ones((BATCH, SEQ), dtype=jnp.float32)
    # embedding table initialized like nn.Embedding with normal(0, initializer_range)
    wte = jax.random.normal(k2, (VOCAB, N_EMBD), dtype=jnp.float32) * 0.02
    return {"input_ids": input_ids, "attention_mask": attention_mask, "wte": wte}

def reference(input_ids, attention_mask, wte):
    input_shape = input_ids.shape
    ids = input_ids.reshape(-1, input_shape[-1])
    batch_size = ids.shape[0]
    # position_ids are computed in the torch forward but not returned/used
    position_ids = jnp.arange(0, input_shape[-1], dtype=jnp.int32)[None, :].reshape(-1, input_shape[-1])
    # attention mask expansion: [B, 1, 1, S], bf16, additive-mask form
    am = attention_mask.reshape(batch_size, -1)
    am = am[:, None, None, :].astype(jnp.bfloat16)
    am = (1.0 - am) * jnp.finfo(jnp.bfloat16).min
    # embedding gather (dropout is identity in eval / p=0)
    hidden_states = jnp.take(wte, ids, axis=0)
    return (hidden_states, am)

if __name__ == "__main__":
    import jax
    _d = setup_inputs()
    print(jax.jit(kernel)(*tuple(_d.values())))

</pallas_src>

<mosaic_0001>
#map = affine_map<(d0, d1) -> (0, 0)>
module attributes {stable_mosaic.version = 14 : i64} {
  func.func @_gather_body(%arg0: i32, %arg1: i32, %arg2: memref<100000x1024xf32, #tpu.memory_space<hbm>>, %arg3: memref<4x8192xi32, #tpu.memory_space<hbm>>, %arg4: memref<32768x1024xf32, #tpu.memory_space<hbm>>, %arg5: memref<1024xi32, #tpu.memory_space<vmem>>, %arg6: memref<64x1024xf32, #tpu.memory_space<vmem>>, %arg7: memref<!tpu.dma_semaphore, #tpu.memory_space<semaphore_mem>>, %arg8: memref<!tpu.dma_semaphore, #tpu.memory_space<semaphore_mem>>, %arg9: memref<!tpu.dma_semaphore, #tpu.memory_space<semaphore_mem>>, %arg10: memref<!tpu.dma_semaphore, #tpu.memory_space<semaphore_mem>>) attributes {dimension_semantics = [#tpu.dimension_semantics<core_parallel>, #tpu.dimension_semantics<subcore_parallel>], iteration_bounds = array<i64: 2, 16>, scalar_prefetch = 0 : i64, scratch_operands = 6 : i64, tpu.core_type = #tpu.core_type<sc_vector_subcore>, window_params = [{transform_indices = #map}, {transform_indices = #map}, {transform_indices = #map}]} {
    %mul3A = arith.constant 2 : i32
    %mul3A_0 = arith.muli %arg1, %mul3A : i32
    %add3A = arith.addi %mul3A_0, %arg0 : i32
    %mul3A_1 = arith.constant 1024 : i32
    %mul3A_2 = arith.muli %add3A, %mul3A_1 : i32
    %jit3A = arith.constant 8 : i32
    %div3A = arith.divsi %add3A, %jit3A : i32
    %sign3A = arith.constant 0 : i32
    %sign3A_3 = arith.cmpi sgt, %add3A, %sign3A : i32
    %sign3A_4 = arith.extui %sign3A_3 : i1 to i32
    %sign3A_5 = arith.constant 0 : i32
    %sign3A_6 = arith.cmpi slt, %add3A, %sign3A_5 : i32
    %sign3A_7 = arith.extui %sign3A_6 : i1 to i32
    %sign3A_8 = arith.subi %sign3A_4, %sign3A_7 : i32
    %sign3A_9 = arith.constant 0 : i32
    %sign3A_10 = arith.cmpi sgt, %jit3A, %sign3A_9 : i32
    %sign3A_11 = arith.extui %sign3A_10 : i1 to i32
    %sign3A_12 = arith.constant 0 : i32
    %sign3A_13 = arith.cmpi slt, %jit3A, %sign3A_12 : i32
    %sign3A_14 = arith.extui %sign3A_13 : i1 to i32
    %sign3A_15 = arith.subi %sign3A_11, %sign3A_14 : i32
    %ne3A = arith.cmpi ne, %sign3A_8, %sign3A_15 : i32
    %rem3A = arith.remsi %add3A, %jit3A : i32
    %ne3A_16 = arith.constant 0 : i32
    %ne3A_17 = arith.cmpi ne, %rem3A, %ne3A_16 : i32
    %and3A = arith.andi %ne3A, %ne3A_17 : i1
    %sub3A = arith.constant 1 : i32
    %sub3A_18 = arith.subi %div3A, %sub3A : i32
    %select_n3A = arith.select %and3A, %sub3A_18, %div3A : i32
    %jit3A_19 = arith.constant 8 : i32
    %eq3A = arith.constant 0 : i32
    %eq3A_20 = arith.cmpi eq, %jit3A_19, %eq3A : i32
    %jit3A_21 = arith.constant 1 : i32
    %select_n3A_22 = arith.select %eq3A_20, %jit3A_21, %jit3A_19 : i32
    %rem3A_23 = arith.remsi %add3A, %select_n3A_22 : i32
    %ne3A_24 = arith.constant 0 : i32
    %ne3A_25 = arith.cmpi ne, %rem3A_23, %ne3A_24 : i32
    %lt3A = arith.constant 0 : i32
    %lt3A_26 = arith.cmpi slt, %rem3A_23, %lt3A : i32
    %lt3A_27 = arith.constant 0 : i32
    %lt3A_28 = arith.cmpi slt, %select_n3A_22, %lt3A_27 : i32
    %ne3A_29 = arith.xori %lt3A_26, %lt3A_28 : i1
    %and3A_30 = arith.andi %ne3A_29, %ne3A_25 : i1
    %add3A_31 = arith.addi %rem3A_23, %select_n3A_22 : i32
    %select_n3A_32 = arith.select %and3A_30, %add3A_31, %rem3A_23 : i32
    %mul3A_33 = arith.constant 1024 : i32
    %mul3A_34 = arith.muli %select_n3A_32, %mul3A_33 : i32
    "tpu.region"() ({
      %run_scoped3A = tpu.sem_alloc : memref<!tpu.dma_semaphore, #tpu.memory_space<semaphore_mem>>
      %dma_start3A_149 = tpu.memref_slice %arg3[%select_n3A, %mul3A_34] : memref<4x8192xi32, #tpu.memory_space<hbm>> -> memref<1x1024xi32, #tpu.memory_space<hbm>>
      %dma_start3A_150 = tpu.memref_squeeze %dma_start3A_149 : memref<1x1024xi32, #tpu.memory_space<hbm>> -> memref<1024xi32, #tpu.memory_space<hbm>>
      %dma_start3A_151 = tpu.memref_slice %arg3[%select_n3A, %mul3A_34] : memref<4x8192xi32, #tpu.memory_space<hbm>> -> memref<1x1024xi32, #tpu.memory_space<hbm>>
      %dma_start3A_152 = tpu.memref_squeeze %dma_start3A_151 : memref<1x1024xi32, #tpu.memory_space<hbm>> -> memref<1024xi32, #tpu.memory_space<hbm>>
      tpu.enqueue_dma source(%dma_start3A_152 : memref<1024xi32, #tpu.memory_space<hbm>>) target(%arg5 : memref<1024xi32, #tpu.memory_space<vmem>>) target_semaphore(%run_scoped3A : memref<!tpu.dma_semaphore, #tpu.memory_space<semaphore_mem>>)
      %dma_wait3A_153 = tpu.memref_slice %arg3[%select_n3A, %mul3A_34] : memref<4x8192xi32, #tpu.memory_space<hbm>> -> memref<1x1024xi32, #tpu.memory_space<hbm>>
      %dma_wait3A_154 = tpu.memref_squeeze %dma_wait3A_153 : memref<1x1024xi32, #tpu.memory_space<hbm>> -> memref<1024xi32, #tpu.memory_space<hbm>>
      %dma_wait3A_155 = tpu.memref_slice %arg3[%select_n3A, %mul3A_34] : memref<4x8192xi32, #tpu.memory_space<hbm>> -> memref<1x1024xi32, #tpu.memory_space<hbm>>
      %dma_wait3A_156 = tpu.memref_squeeze %dma_wait3A_155 : memref<1x1024xi32, #tpu.memory_space<hbm>> -> memref<1024xi32, #tpu.memory_space<hbm>>
      tpu.wait_dma2 semaphore(%run_scoped3A : memref<!tpu.dma_semaphore, #tpu.memory_space<semaphore_mem>>) src(%dma_wait3A_156 : memref<1024xi32, #tpu.memory_space<hbm>>) dst(%arg5 : memref<1024xi32, #tpu.memory_space<vmem>>)
      tpu.yield
    }) : () -> ()
    %dma_start3A = arith.constant 0 : i32
    %dma_start3A_35 = arith.constant 0 : i32
    %dma_start3A_36 = tpu.memref_slice %arg6[%dma_start3A, %dma_start3A_35] : memref<64x1024xf32, #tpu.memory_space<vmem>> -> memref<16x1024xf32, #tpu.memory_space<vmem>>
    %dma_start3A_37 = arith.constant 0 : i32
    %dma_start3A_38 = tpu.memref_slice %arg5[%dma_start3A_37] : memref<1024xi32, #tpu.memory_space<vmem>> -> memref<16xi32, #tpu.memory_space<vmem>>
    %dma_start3A_39 = arith.constant 0 : i32
    %dma_start3A_40 = arith.constant 0 : i32
    %dma_start3A_41 = tpu.memref_slice %arg2[%dma_start3A_39, %dma_start3A_40] : memref<100000x1024xf32, #tpu.memory_space<hbm>> -> memref<100000x1024xf32, #tpu.memory_space<hbm>>
    tpu.enqueue_indirect_dma source(%dma_start3A_41 : memref<100000x1024xf32, #tpu.memory_space<hbm>>) target(%dma_start3A_36 : memref<16x1024xf32, #tpu.memory_space<vmem>>) offsets(%dma_start3A_38 : memref<16xi32, #tpu.memory_space<vmem>>) semaphore(%arg7 : memref<!tpu.dma_semaphore, #tpu.memory_space<semaphore_mem>>)
    %dma_start3A_42 = arith.constant 16 : i32
    %dma_start3A_43 = arith.constant 0 : i32
    %dma_start3A_44 = tpu.memref_slice %arg6[%dma_start3A_42, %dma_start3A_43] : memref<64x1024xf32, #tpu.memory_space<vmem>> -> memref<16x1024xf32, #tpu.memory_space<vmem>>
    %dma_start3A_45 = arith.constant 16 : i32
    %dma_start3A_46 = tpu.memref_slice %arg5[%dma_start3A_45] : memref<1024xi32, #tpu.memory_space<vmem>> -> memref<16xi32, #tpu.memory_space<vmem>>
    %dma_start3A_47 = arith.constant 0 : i32
    %dma_start3A_48 = arith.constant 0 : i32
    %dma_start3A_49 = tpu.memref_slice %arg2[%dma_start3A_47, %dma_start3A_48] : memref<100000x1024xf32, #tpu.memory_space<hbm>> -> memref<100000x1024xf32, #tpu.memory_space<hbm>>
    tpu.enqueue_indirect_dma source(%dma_start3A_49 : memref<100000x1024xf32, #tpu.memory_space<hbm>>) target(%dma_start3A_44 : memref<16x1024xf32, #tpu.memory_space<vmem>>) offsets(%dma_start3A_46 : memref<16xi32, #tpu.memory_space<vmem>>) semaphore(%arg8 : memref<!tpu.dma_semaphore, #tpu.memory_space<semaphore_mem>>)
    %dma_wait3A = arith.constant 0 : i32
    %dma_wait3A_50 = arith.constant 0 : i32
    %dma_wait3A_51 = tpu.memref_slice %arg6[%dma_wait3A, %dma_wait3A_50] : memref<64x1024xf32, #tpu.memory_space<vmem>> -> memref<16x1024xf32, #tpu.memory_space<vmem>>
    %dma_wait3A_52 = arith.constant 0 : i32
    %dma_wait3A_53 = tpu.memref_slice %arg5[%dma_wait3A_52] : memref<1024xi32, #tpu.memory_space<vmem>> -> memref<16xi32, #tpu.memory_space<vmem>>
    %dma_wait3A_54 = arith.constant 0 : i32
    %dma_wait3A_55 = arith.constant 0 : i32
    %dma_wait3A_56 = tpu.memref_slice %arg2[%dma_wait3A_54, %dma_wait3A_55] : memref<100000x1024xf32, #tpu.memory_space<hbm>> -> memref<100000x1024xf32, #tpu.memory_space<hbm>>
    tpu.wait_indirect_dma semaphore(%arg7 : memref<!tpu.dma_semaphore, #tpu.memory_space<semaphore_mem>>) src(%dma_wait3A_56 : memref<100000x1024xf32, #tpu.memory_space<hbm>>) dst(%dma_wait3A_51 : memref<16x1024xf32, #tpu.memory_space<vmem>>)
    %dma_wait3A_57 = arith.constant 16 : i32
    %dma_wait3A_58 = arith.constant 0 : i32
    %dma_wait3A_59 = tpu.memref_slice %arg6[%dma_wait3A_57, %dma_wait3A_58] : memref<64x1024xf32, #tpu.memory_space<vmem>> -> memref<16x1024xf32, #tpu.memory_space<vmem>>
    %dma_wait3A_60 = arith.constant 16 : i32
    %dma_wait3A_61 = tpu.memref_slice %arg5[%dma_wait3A_60] : memref<1024xi32, #tpu.memory_space<vmem>> -> memref<16xi32, #tpu.memory_space<vmem>>
    %dma_wait3A_62 = arith.constant 0 : i32
    %dma_wait3A_63 = arith.constant 0 : i32
    %dma_wait3A_64 = tpu.memref_slice %arg2[%dma_wait3A_62, %dma_wait3A_63] : memref<100000x1024xf32, #tpu.memory_space<hbm>> -> memref<100000x1024xf32, #tpu.memory_space<hbm>>
    tpu.wait_indirect_dma semaphore(%arg8 : memref<!tpu.dma_semaphore, #tpu.memory_space<semaphore_mem>>) src(%dma_wait3A_64 : memref<100000x1024xf32, #tpu.memory_space<hbm>>) dst(%dma_wait3A_59 : memref<16x1024xf32, #tpu.memory_space<vmem>>)
    %add3A_65 = arith.constant 0 : i32
    %add3A_66 = arith.addi %mul3A_2, %add3A_65 : i32
    %dma_start3A_67 = arith.constant 0 : i32
    %dma_start3A_68 = arith.constant 0 : i32
    %dma_start3A_69 = tpu.memref_slice %arg6[%dma_start3A_67, %dma_start3A_68] : memref<64x1024xf32, #tpu.memory_space<vmem>> -> memref<32x1024xf32, #tpu.memory_space<vmem>>
    %dma_start3A_70 = arith.constant 0 : i32
    %dma_start3A_71 = tpu.memref_slice %arg4[%add3A_66, %dma_start3A_70] : memref<32768x1024xf32, #tpu.memory_space<hbm>> -> memref<32x1024xf32, #tpu.memory_space<hbm>>
    %dma_start3A_72 = arith.constant 0 : i32
    %dma_start3A_73 = tpu.memref_slice %arg4[%add3A_66, %dma_start3A_72] : memref<32768x1024xf32, #tpu.memory_space<hbm>> -> memref<32x1024xf32, #tpu.memory_space<hbm>>
    %dma_start3A_74 = arith.constant 0 : i32
    %dma_start3A_75 = arith.constant 0 : i32
    %dma_start3A_76 = tpu.memref_slice %arg6[%dma_start3A_74, %dma_start3A_75] : memref<64x1024xf32, #tpu.memory_space<vmem>> -> memref<32x1024xf32, #tpu.memory_space<vmem>>
    tpu.enqueue_dma source(%dma_start3A_76 : memref<32x1024xf32, #tpu.memory_space<vmem>>) target(%dma_start3A_73 : memref<32x1024xf32, #tpu.memory_space<hbm>>) target_semaphore(%arg9 : memref<!tpu.dma_semaphore, #tpu.memory_space<semaphore_mem>>)
    %dma_start3A_77 = arith.constant 32 : i32
    %dma_start3A_78 = arith.constant 0 : i32
    %dma_start3A_79 = tpu.memref_slice %arg6[%dma_start3A_77, %dma_start3A_78] : memref<64x1024xf32, #tpu.memory_space<vmem>> -> memref<16x1024xf32, #tpu.memory_space<vmem>>
    %dma_start3A_80 = arith.constant 32 : i32
    %dma_start3A_81 = tpu.memref_slice %arg5[%dma_start3A_80] : memref<1024xi32, #tpu.memory_space<vmem>> -> memref<16xi32, #tpu.memory_space<vmem>>
    %dma_start3A_82 = arith.constant 0 : i32
    %dma_start3A_83 = arith.constant 0 : i32
    %dma_start3A_84 = tpu.memref_slice %arg2[%dma_start3A_82, %dma_start3A_83] : memref<100000x1024xf32, #tpu.memory_space<hbm>> -> memref<100000x1024xf32, #tpu.memory_space<hbm>>
    tpu.enqueue_indirect_dma source(%dma_start3A_84 : memref<100000x1024xf32, #tpu.memory_space<hbm>>) target(%dma_start3A_79 : memref<16x1024xf32, #tpu.memory_space<vmem>>) offsets(%dma_start3A_81 : memref<16xi32, #tpu.memory_space<vmem>>) semaphore(%arg7 : memref<!tpu.dma_semaphore, #tpu.memory_space<semaphore_mem>>)
    %dma_start3A_85 = arith.constant 48 : i32
    %dma_start3A_86 = arith.constant 0 : i32
    %dma_start3A_87 = tpu.memref_slice %arg6[%dma_start3A_85, %dma_start3A_86] : memref<64x1024xf32, #tpu.memory_space<vmem>> -> memref<16x1024xf32, #tpu.memory_space<vmem>>
    %dma_start3A_88 = arith.constant 48 : i32
    %dma_start3A_89 = tpu.memref_slice %arg5[%dma_start3A_88] : memref<1024xi32, #tpu.memory_space<vmem>> -> memref<16xi32, #tpu.memory_space<vmem>>
    %dma_start3A_90 = arith.constant 0 : i32
    %dma_start3A_91 = arith.constant 0 : i32
    %dma_start3A_92 = tpu.memref_slice %arg2[%dma_start3A_90, %dma_start3A_91] : memref<100000x1024xf32, #tpu.memory_space<hbm>> -> memref<100000x1024xf32, #tpu.memory_space<hbm>>
    tpu.enqueue_indirect_dma source(%dma_start3A_92 : memref<100000x1024xf32, #tpu.memory_space<hbm>>) target(%dma_start3A_87 : memref<16x1024xf32, #tpu.memory_space<vmem>>) offsets(%dma_start3A_89 : memref<16xi32, #tpu.memory_space<vmem>>) semaphore(%arg8 : memref<!tpu.dma_semaphore, #tpu.memory_space<semaphore_mem>>)
    %dma_wait3A_93 = arith.constant 32 : i32
    %dma_wait3A_94 = arith.constant 0 : i32
    %dma_wait3A_95 = tpu.memref_slice %arg6[%dma_wait3A_93, %dma_wait3A_94] : memref<64x1024xf32, #tpu.memory_space<vmem>> -> memref<16x1024xf32, #tpu.memory_space<vmem>>
    %dma_wait3A_96 = arith.constant 32 : i32
    %dma_wait3A_97 = tpu.memref_slice %arg5[%dma_wait3A_96] : memref<1024xi32, #tpu.memory_space<vmem>> -> memref<16xi32, #tpu.memory_space<vmem>>
    %dma_wait3A_98 = arith.constant 0 : i32
    %dma_wait3A_99 = arith.constant 0 : i32
    %dma_wait3A_100 = tpu.memref_slice %arg2[%dma_wait3A_98, %dma_wait3A_99] : memref<100000x1024xf32, #tpu.memory_space<hbm>> -> memref<100000x1024xf32, #tpu.memory_space<hbm>>
    tpu.wait_indirect_dma semaphore(%arg7 : memref<!tpu.dma_semaphore, #tpu.memory_space<semaphore_mem>>) src(%dma_wait3A_100 : memref<100000x1024xf32, #tpu.memory_space<hbm>>) dst(%dma_wait3A_95 : memref<16x1024xf32, #tpu.memory_space<vmem>>)
    %dma_wait3A_101 = arith.constant 48 : i32
    %dma_wait3A_102 = arith.constant 0 : i32
    %dma_wait3A_103 = tpu.memref_slice %arg6[%dma_wait3A_101, %dma_wait3A_102] : memref<64x1024xf32, #tpu.memory_space<vmem>> -> memref<16x1024xf32, #tpu.memory_space<vmem>>
    %dma_wait3A_104 = arith.constant 48 : i32
    %dma_wait3A_105 = tpu.memref_slice %arg5[%dma_wait3A_104] : memref<1024xi32, #tpu.memory_space<vmem>> -> memref<16xi32, #tpu.memory_space<vmem>>
    %dma_wait3A_106 = arith.constant 0 : i32
    %dma_wait3A_107 = arith.constant 0 : i32
    %dma_wait3A_108 = tpu.memref_slice %arg2[%dma_wait3A_106, %dma_wait3A_107] : memref<100000x1024xf32, #tpu.memory_space<hbm>> -> memref<100000x1024xf32, #tpu.memory_space<hbm>>
    tpu.wait_indirect_dma semaphore(%arg8 : memref<!tpu.dma_semaphore, #tpu.memory_space<semaphore_mem>>) src(%dma_wait3A_108 : memref<100000x1024xf32, #tpu.memory_space<hbm>>) dst(%dma_wait3A_103 : memref<16x1024xf32, #tpu.memory_space<vmem>>)
    %add3A_109 = arith.constant 32 : i32
    %add3A_110 = arith.addi %mul3A_2, %add3A_109 : i32
    %dma_start3A_111 = arith.constant 32 : i32
    %dma_start3A_112 = arith.constant 0 : i32
    %dma_start3A_113 = tpu.memref_slice %arg6[%dma_start3A_111, %dma_start3A_112] : memref<64x1024xf32, #tpu.memory_space<vmem>> -> memref<32x1024xf32, #tpu.memory_space<vmem>>
    %dma_start3A_114 = arith.constant 0 : i32
    %dma_start3A_115 = tpu.memref_slice %arg4[%add3A_110, %dma_start3A_114] : memref<32768x1024xf32, #tpu.memory_space<hbm>> -> memref<32x1024xf32, #tpu.memory_space<hbm>>
    %dma_start3A_116 = arith.constant 0 : i32
    %dma_start3A_117 = tpu.memref_slice %arg4[%add3A_110, %dma_start3A_116] : memref<32768x1024xf32, #tpu.memory_space<hbm>> -> memref<32x1024xf32, #tpu.memory_space<hbm>>
    %dma_start3A_118 = arith.constant 32 : i32
    %dma_start3A_119 = arith.constant 0 : i32
    %dma_start3A_120 = tpu.memref_slice %arg6[%dma_start3A_118, %dma_start3A_119] : memref<64x1024xf32, #tpu.memory_space<vmem>> -> memref<32x1024xf32, #tpu.memory_space<vmem>>
    tpu.enqueue_dma source(%dma_start3A_120 : memref<32x1024xf32, #tpu.memory_space<vmem>>) target(%dma_start3A_117 : memref<32x1024xf32, #tpu.memory_space<hbm>>) target_semaphore(%arg10 : memref<!tpu.dma_semaphore, #tpu.memory_space<semaphore_mem>>)
    %scan3A = arith.constant 0 : i32
    %scan3A_121 = arith.constant 15 : i32
    %scan3A_122 = arith.addi %scan3A, %scan3A_121 : i32
    %scan3A_123 = arith.constant 1 : i32
    scf.for %scan3A_149 = %scan3A to %scan3A_122 step %scan3A_123  : i32 {
      %mul3A_150 = arith.constant 2 : i32
      %mul3A_151 = arith.muli %scan3A_149, %mul3A_150 : i32
      %add3A_152 = arith.constant 2 : i32
      %add3A_153 = arith.addi %add3A_152, %mul3A_151 : i32
      %add3A_154 = arith.constant 0 : i32
      %add3A_155 = arith.addi %add3A_153, %add3A_154 : i32
      %mul3A_156 = arith.constant 2 : i32
      %mul3A_157 = arith.muli %mul3A_156, %add3A_155 : i32
      %sub3A_158 = arith.constant 2 : i32
      %sub3A_159 = arith.subi %add3A_155, %sub3A_158 : i32
      %mul3A_160 = arith.constant 32 : i32
      %mul3A_161 = arith.muli %sub3A_159, %mul3A_160 : i32
      %add3A_162 = arith.addi %mul3A_2, %mul3A_161 : i32
      %dma_wait3A_163 = arith.constant 0 : i32
      %dma_wait3A_164 = arith.constant 0 : i32
      %dma_wait3A_165 = tpu.memref_slice %arg6[%dma_wait3A_163, %dma_wait3A_164] : memref<64x1024xf32, #tpu.memory_space<vmem>> -> memref<32x1024xf32, #tpu.memory_space<vmem>>
      %dma_wait3A_166 = arith.constant 0 : i32
      %dma_wait3A_167 = tpu.memref_slice %arg4[%add3A_162, %dma_wait3A_166] : memref<32768x1024xf32, #tpu.memory_space<hbm>> -> memref<32x1024xf32, #tpu.memory_space<hbm>>
      %dma_wait3A_168 = arith.constant 0 : i32
      %dma_wait3A_169 = tpu.memref_slice %arg4[%add3A_162, %dma_wait3A_168] : memref<32768x1024xf32, #tpu.memory_space<hbm>> -> memref<32x1024xf32, #tpu.memory_space<hbm>>
      %dma_wait3A_170 = arith.constant 0 : i32
      %dma_wait3A_171 = arith.constant 0 : i32
      %dma_wait3A_172 = tpu.memref_slice %arg6[%dma_wait3A_170, %dma_wait3A_171] : memref<64x1024xf32, #tpu.memory_space<vmem>> -> memref<32x1024xf32, #tpu.memory_space<vmem>>
      tpu.wait_dma2 semaphore(%arg9 : memref<!tpu.dma_semaphore, #tpu.memory_space<semaphore_mem>>) src(%dma_wait3A_172 : memref<32x1024xf32, #tpu.memory_space<vmem>>) dst(%dma_wait3A_169 : memref<32x1024xf32, #tpu.memory_space<hbm>>)
      %mul3A_173 = arith.constant 16 : i32
      %mul3A_174 = arith.muli %mul3A_157, %mul3A_173 : i32
      %dma_start3A_175 = arith.constant 0 : i32
      %dma_start3A_176 = arith.constant 0 : i32
      %dma_start3A_177 = tpu.memref_slice %arg6[%dma_start3A_175, %dma_start3A_176] : memref<64x1024xf32, #tpu.memory_space<vmem>> -> memref<16x1024xf32, #tpu.memory_space<vmem>>
      %dma_start3A_178 = tpu.memref_slice %arg5[%mul3A_174] : memref<1024xi32, #tpu.memory_space<vmem>> -> memref<16xi32, #tpu.memory_space<vmem>>
      %dma_start3A_179 = arith.constant 0 : i32
      %dma_start3A_180 = arith.constant 0 : i32
      %dma_start3A_181 = tpu.memref_slice %arg2[%dma_start3A_179, %dma_start3A_180] : memref<100000x1024xf32, #tpu.memory_space<hbm>> -> memref<100000x1024xf32, #tpu.memory_space<hbm>>
      tpu.enqueue_indirect_dma source(%dma_start3A_181 : memref<100000x1024xf32, #tpu.memory_space<hbm>>) target(%dma_start3A_177 : memref<16x1024xf32, #tpu.memory_space<vmem>>) offsets(%dma_start3A_178 : memref<16xi32, #tpu.memory_space<vmem>>) semaphore(%arg7 : memref<!tpu.dma_semaphore, #tpu.memory_space<semaphore_mem>>)
      %add3A_182 = arith.constant 1 : i32
      %add3A_183 = arith.addi %mul3A_157, %add3A_182 : i32
      %mul3A_184 = arith.constant 16 : i32
      %mul3A_185 = arith.muli %add3A_183, %mul3A_184 : i32
      %dma_start3A_186 = arith.constant 16 : i32
      %dma_start3A_187 = arith.constant 0 : i32
      %dma_start3A_188 = tpu.memref_slice %arg6[%dma_start3A_186, %dma_start3A_187] : memref<64x1024xf32, #tpu.memory_space<vmem>> -> memref<16x1024xf32, #tpu.memory_space<vmem>>
      %dma_start3A_189 = tpu.memref_slice %arg5[%mul3A_185] : memref<1024xi32, #tpu.memory_space<vmem>> -> memref<16xi32, #tpu.memory_space<vmem>>
      %dma_start3A_190 = arith.constant 0 : i32
      %dma_start3A_191 = arith.constant 0 : i32
      %dma_start3A_192 = tpu.memref_slice %arg2[%dma_start3A_190, %dma_start3A_191] : memref<100000x1024xf32, #tpu.memory_space<hbm>> -> memref<100000x1024xf32, #tpu.memory_space<hbm>>
      tpu.enqueue_indirect_dma source(%dma_start3A_192 : memref<100000x1024xf32, #tpu.memory_space<hbm>>) target(%dma_start3A_188 : memref<16x1024xf32, #tpu.memory_space<vmem>>) offsets(%dma_start3A_189 : memref<16xi32, #tpu.memory_space<vmem>>) semaphore(%arg8 : memref<!tpu.dma_semaphore, #tpu.memory_space<semaphore_mem>>)
      %dma_wait3A_193 = arith.constant 0 : i32
      %dma_wait3A_194 = arith.constant 0 : i32
      %dma_wait3A_195 = tpu.memref_slice %arg6[%dma_wait3A_193, %dma_wait3A_194] : memref<64x1024xf32, #tpu.memory_space<vmem>> -> memref<16x1024xf32, #tpu.memory_space<vmem>>
      %dma_wait3A_196 = tpu.memref_slice %arg5[%mul3A_174] : memref<1024xi32, #tpu.memory_space<vmem>> -> memref<16xi32, #tpu.memory_space<vmem>>
      %dma_wait3A_197 = arith.constant 0 : i32
      %dma_wait3A_198 = arith.constant 0 : i32
      %dma_wait3A_199 = tpu.memref_slice %arg2[%dma_wait3A_197, %dma_wait3A_198] : memref<100000x1024xf32, #tpu.memory_space<hbm>> -> memref<100000x1024xf32, #tpu.memory_space<hbm>>
      tpu.wait_indirect_dma semaphore(%arg7 : memref<!tpu.dma_semaphore, #tpu.memory_space<semaphore_mem>>) src(%dma_wait3A_199 : memref<100000x1024xf32, #tpu.memory_space<hbm>>) dst(%dma_wait3A_195 : memref<16x1024xf32, #tpu.memory_space<vmem>>)
      %dma_wait3A_200 = arith.constant 16 : i32
      %dma_wait3A_201 = arith.constant 0 : i32
      %dma_wait3A_202 = tpu.memref_slice %arg6[%dma_wait3A_200, %dma_wait3A_201] : memref<64x1024xf32, #tpu.memory_space<vmem>> -> memref<16x1024xf32, #tpu.memory_space<vmem>>
      %dma_wait3A_203 = tpu.memref_slice %arg5[%mul3A_185] : memref<1024xi32, #tpu.memory_space<vmem>> -> memref<16xi32, #tpu.memory_space<vmem>>
      %dma_wait3A_204 = arith.constant 0 : i32
      %dma_wait3A_205 = arith.constant 0 : i32
      %dma_wait3A_206 = tpu.memref_slice %arg2[%dma_wait3A_204, %dma_wait3A_205] : memref<100000x1024xf32, #tpu.memory_space<hbm>> -> memref<100000x1024xf32, #tpu.memory_space<hbm>>
      tpu.wait_indirect_dma semaphore(%arg8 : memref<!tpu.dma_semaphore, #tpu.memory_space<semaphore_mem>>) src(%dma_wait3A_206 : memref<100000x1024xf32, #tpu.memory_space<hbm>>) dst(%dma_wait3A_202 : memref<16x1024xf32, #tpu.memory_space<vmem>>)
      %mul3A_207 = arith.constant 32 : i32
      %mul3A_208 = arith.muli %add3A_155, %mul3A_207 : i32
      %add3A_209 = arith.addi %mul3A_2, %mul3A_208 : i32
      %dma_start3A_210 = arith.constant 0 : i32
      %dma_start3A_211 = arith.constant 0 : i32
      %dma_start3A_212 = tpu.memref_slice %arg6[%dma_start3A_210, %dma_start3A_211] : memref<64x1024xf32, #tpu.memory_space<vmem>> -> memref<32x1024xf32, #tpu.memory_space<vmem>>
      %dma_start3A_213 = arith.constant 0 : i32
      %dma_start3A_214 = tpu.memref_slice %arg4[%add3A_209, %dma_start3A_213] : memref<32768x1024xf32, #tpu.memory_space<hbm>> -> memref<32x1024xf32, #tpu.memory_space<hbm>>
      %dma_start3A_215 = arith.constant 0 : i32
      %dma_start3A_216 = tpu.memref_slice %arg4[%add3A_209, %dma_start3A_215] : memref<32768x1024xf32, #tpu.memory_space<hbm>> -> memref<32x1024xf32, #tpu.memory_space<hbm>>
      %dma_start3A_217 = arith.constant 0 : i32
      %dma_start3A_218 = arith.constant 0 : i32
      %dma_start3A_219 = tpu.memref_slice %arg6[%dma_start3A_217, %dma_start3A_218] : memref<64x1024xf32, #tpu.memory_space<vmem>> -> memref<32x1024xf32, #tpu.memory_space<vmem>>
      tpu.enqueue_dma source(%dma_start3A_219 : memref<32x1024xf32, #tpu.memory_space<vmem>>) target(%dma_start3A_216 : memref<32x1024xf32, #tpu.memory_space<hbm>>) target_semaphore(%arg9 : memref<!tpu.dma_semaphore, #tpu.memory_space<semaphore_mem>>)
      %add3A_220 = arith.constant 1 : i32
      %add3A_221 = arith.addi %add3A_153, %add3A_220 : i32
      %mul3A_222 = arith.constant 2 : i32
      %mul3A_223 = arith.muli %mul3A_222, %add3A_221 : i32
      %sub3A_224 = arith.constant 2 : i32
      %sub3A_225 = arith.subi %add3A_221, %sub3A_224 : i32
      %mul3A_226 = arith.constant 32 : i32
      %mul3A_227 = arith.muli %sub3A_225, %mul3A_226 : i32
      %add3A_228 = arith.addi %mul3A_2, %mul3A_227 : i32
      %dma_wait3A_229 = arith.constant 32 : i32
      %dma_wait3A_230 = arith.constant 0 : i32
      %dma_wait3A_231 = tpu.memref_slice %arg6[%dma_wait3A_229, %dma_wait3A_230] : memref<64x1024xf32, #tpu.memory_space<vmem>> -> memref<32x1024xf32, #tpu.memory_space<vmem>>
      %dma_wait3A_232 = arith.constant 0 : i32
      %dma_wait3A_233 = tpu.memref_slice %arg4[%add3A_228, %dma_wait3A_232] : memref<32768x1024xf32, #tpu.memory_space<hbm>> -> memref<32x1024xf32, #tpu.memory_space<hbm>>
      %dma_wait3A_234 = arith.constant 0 : i32
      %dma_wait3A_235 = tpu.memref_slice %arg4[%add3A_228, %dma_wait3A_234] : memref<32768x1024xf32, #tpu.memory_space<hbm>> -> memref<32x1024xf32, #tpu.memory_space<hbm>>
      %dma_wait3A_236 = arith.constant 32 : i32
      %dma_wait3A_237 = arith.constant 0 : i32
      %dma_wait3A_238 = tpu.memref_slice %arg6[%dma_wait3A_236, %dma_wait3A_237] : memref<64x1024xf32, #tpu.memory_space<vmem>> -> memref<32x1024xf32, #tpu.memory_space<vmem>>
      tpu.wait_dma2 semaphore(%arg10 : memref<!tpu.dma_semaphore, #tpu.memory_space<semaphore_mem>>) src(%dma_wait3A_238 : memref<32x1024xf32, #tpu.memory_space<vmem>>) dst(%dma_wait3A_235 : memref<32x1024xf32, #tpu.memory_space<hbm>>)
      %mul3A_239 = arith.constant 16 : i32
      %mul3A_240 = arith.muli %mul3A_223, %mul3A_239 : i32
      %dma_start3A_241 = arith.constant 32 : i32
      %dma_start3A_242 = arith.constant 0 : i32
      %dma_start3A_243 = tpu.memref_slice %arg6[%dma_start3A_241, %dma_start3A_242] : memref<64x1024xf32, #tpu.memory_space<vmem>> -> memref<16x1024xf32, #tpu.memory_space<vmem>>
      %dma_start3A_244 = tpu.memref_slice %arg5[%mul3A_240] : memref<1024xi32, #tpu.memory_space<vmem>> -> memref<16xi32, #tpu.memory_space<vmem>>
      %dma_start3A_245 = arith.constant 0 : i32
      %dma_start3A_246 = arith.constant 0 : i32
      %dma_start3A_247 = tpu.memref_slice %arg2[%dma_start3A_245, %dma_start3A_246] : memref<100000x1024xf32, #tpu.memory_space<hbm>> -> memref<100000x1024xf32, #tpu.memory_space<hbm>>
      tpu.enqueue_indirect_dma source(%dma_start3A_247 : memref<100000x1024xf32, #tpu.memory_space<hbm>>) target(%dma_start3A_243 : memref<16x1024xf32, #tpu.memory_space<vmem>>) offsets(%dma_start3A_244 : memref<16xi32, #tpu.memory_space<vmem>>) semaphore(%arg7 : memref<!tpu.dma_semaphore, #tpu.memory_space<semaphore_mem>>)
      %add3A_248 = arith.constant 1 : i32
      %add3A_249 = arith.addi %mul3A_223, %add3A_248 : i32
      %mul3A_250 = arith.constant 16 : i32
      %mul3A_251 = arith.muli %add3A_249, %mul3A_250 : i32
      %dma_start3A_252 = arith.constant 48 : i32
      %dma_start3A_253 = arith.constant 0 : i32
      %dma_start3A_254 = tpu.memref_slice %arg6[%dma_start3A_252, %dma_start3A_253] : memref<64x1024xf32, #tpu.memory_space<vmem>> -> memref<16x1024xf32, #tpu.memory_space<vmem>>
      %dma_start3A_255 = tpu.memref_slice %arg5[%mul3A_251] : memref<1024xi32, #tpu.memory_space<vmem>> -> memref<16xi32, #tpu.memory_space<vmem>>
      %dma_start3A_256 = arith.constant 0 : i32
      %dma_start3A_257 = arith.constant 0 : i32
      %dma_start3A_258 = tpu.memref_slice %arg2[%dma_start3A_256, %dma_start3A_257] : memref<100000x1024xf32, #tpu.memory_space<hbm>> -> memref<100000x1024xf32, #tpu.memory_space<hbm>>
      tpu.enqueue_indirect_dma source(%dma_start3A_258 : memref<100000x1024xf32, #tpu.memory_space<hbm>>) target(%dma_start3A_254 : memref<16x1024xf32, #tpu.memory_space<vmem>>) offsets(%dma_start3A_255 : memref<16xi32, #tpu.memory_space<vmem>>) semaphore(%arg8 : memref<!tpu.dma_semaphore, #tpu.memory_space<semaphore_mem>>)
      %dma_wait3A_259 = arith.constant 32 : i32
      %dma_wait3A_260 = arith.constant 0 : i32
      %dma_wait3A_261 = tpu.memref_slice %arg6[%dma_wait3A_259, %dma_wait3A_260] : memref<64x1024xf32, #tpu.memory_space<vmem>> -> memref<16x1024xf32, #tpu.memory_space<vmem>>
      %dma_wait3A_262 = tpu.memref_slice %arg5[%mul3A_240] : memref<1024xi32, #tpu.memory_space<vmem>> -> memref<16xi32, #tpu.memory_space<vmem>>
      %dma_wait3A_263 = arith.constant 0 : i32
      %dma_wait3A_264 = arith.constant 0 : i32
      %dma_wait3A_265 = tpu.memref_slice %arg2[%dma_wait3A_263, %dma_wait3A_264] : memref<100000x1024xf32, #tpu.memory_space<hbm>> -> memref<100000x1024xf32, #tpu.memory_space<hbm>>
      tpu.wait_indirect_dma semaphore(%arg7 : memref<!tpu.dma_semaphore, #tpu.memory_space<semaphore_mem>>) src(%dma_wait3A_265 : memref<100000x1024xf32, #tpu.memory_space<hbm>>) dst(%dma_wait3A_261 : memref<16x1024xf32, #tpu.memory_space<vmem>>)
      %dma_wait3A_266 = arith.constant 48 : i32
      %dma_wait3A_267 = arith.constant 0 : i32
      %dma_wait3A_268 = tpu.memref_slice %arg6[%dma_wait3A_266, %dma_wait3A_267] : memref<64x1024xf32, #tpu.memory_space<vmem>> -> memref<16x1024xf32, #tpu.memory_space<vmem>>
      %dma_wait3A_269 = tpu.memref_slice %arg5[%mul3A_251] : memref<1024xi32, #tpu.memory_space<vmem>> -> memref<16xi32, #tpu.memory_space<vmem>>
      %dma_wait3A_270 = arith.constant 0 : i32
      %dma_wait3A_271 = arith.constant 0 : i32
      %dma_wait3A_272 = tpu.memref_slice %arg2[%dma_wait3A_270, %dma_wait3A_271] : memref<100000x1024xf32, #tpu.memory_space<hbm>> -> memref<100000x1024xf32, #tpu.memory_space<hbm>>
      tpu.wait_indirect_dma semaphore(%arg8 : memref<!tpu.dma_semaphore, #tpu.memory_space<semaphore_mem>>) src(%dma_wait3A_272 : memref<100000x1024xf32, #tpu.memory_space<hbm>>) dst(%dma_wait3A_268 : memref<16x1024xf32, #tpu.memory_space<vmem>>)
      %mul3A_273 = arith.constant 32 : i32
      %mul3A_274 = arith.muli %add3A_221, %mul3A_273 : i32
      %add3A_275 = arith.addi %mul3A_2, %mul3A_274 : i32
      %dma_start3A_276 = arith.constant 32 : i32
      %dma_start3A_277 = arith.constant 0 : i32
      %dma_start3A_278 = tpu.memref_slice %arg6[%dma_start3A_276, %dma_start3A_277] : memref<64x1024xf32, #tpu.memory_space<vmem>> -> memref<32x1024xf32, #tpu.memory_space<vmem>>
      %dma_start3A_279 = arith.constant 0 : i32
      %dma_start3A_280 = tpu.memref_slice %arg4[%add3A_275, %dma_start3A_279] : memref<32768x1024xf32, #tpu.memory_space<hbm>> -> memref<32x1024xf32, #tpu.memory_space<hbm>>
      %dma_start3A_281 = arith.constant 0 : i32
      %dma_start3A_282 = tpu.memref_slice %arg4[%add3A_275, %dma_start3A_281] : memref<32768x1024xf32, #tpu.memory_space<hbm>> -> memref<32x1024xf32, #tpu.memory_space<hbm>>
      %dma_start3A_283 = arith.constant 32 : i32
      %dma_start3A_284 = arith.constant 0 : i32
      %dma_start3A_285 = tpu.memref_slice %arg6[%dma_start3A_283, %dma_start3A_284] : memref<64x1024xf32, #tpu.memory_space<vmem>> -> memref<32x1024xf32, #tpu.memory_space<vmem>>
      tpu.enqueue_dma source(%dma_start3A_285 : memref<32x1024xf32, #tpu.memory_space<vmem>>) target(%dma_start3A_282 : memref<32x1024xf32, #tpu.memory_space<hbm>>) target_semaphore(%arg10 : memref<!tpu.dma_semaphore, #tpu.memory_space<semaphore_mem>>)
    }
    %scan3A_124 = arith.constant 15 : i32
    %add3A_125 = arith.constant 960 : i32
    %add3A_126 = arith.addi %mul3A_2, %add3A_125 : i32
    %dma_wait3A_127 = arith.constant 0 : i32
    %dma_wait3A_128 = arith.constant 0 : i32
    %dma_wait3A_129 = tpu.memref_slice %arg6[%dma_wait3A_127, %dma_wait3A_128] : memref<64x1024xf32, #tpu.memory_space<vmem>> -> memref<32x1024xf32, #tpu.memory_space<vmem>>
    %dma_wait3A_130 = arith.constant 0 : i32
    %dma_wait3A_131 = tpu.memref_slice %arg4[%add3A_126, %dma_wait3A_130] : memref<32768x1024xf32, #tpu.memory_space<hbm>> -> memref<32x1024xf32, #tpu.memory_space<hbm>>
    %dma_wait3A_132 = arith.constant 0 : i32
    %dma_wait3A_133 = tpu.memref_slice %arg4[%add3A_126, %dma_wait3A_132] : memref<32768x1024xf32, #tpu.memory_space<hbm>> -> memref<32x1024xf32, #tpu.memory_space<hbm>>
    %dma_wait3A_134 = arith.constant 0 : i32
    %dma_wait3A_135 = arith.constant 0 : i32
    %dma_wait3A_136 = tpu.memref_slice %arg6[%dma_wait3A_134, %dma_wait3A_135] : memref<64x1024xf32, #tpu.memory_space<vmem>> -> memref<32x1024xf32, #tpu.memory_space<vmem>>
    tpu.wait_dma2 semaphore(%arg9 : memref<!tpu.dma_semaphore, #tpu.memory_space<semaphore_mem>>) src(%dma_wait3A_136 : memref<32x1024xf32, #tpu.memory_space<vmem>>) dst(%dma_wait3A_133 : memref<32x1024xf32, #tpu.memory_space<hbm>>)
    %add3A_137 = arith.constant 992 : i32
    %add3A_138 = arith.addi %mul3A_2, %add3A_137 : i32
    %dma_wait3A_139 = arith.constant 32 : i32
    %dma_wait3A_140 = arith.constant 0 : i32
    %dma_wait3A_141 = tpu.memref_slice %arg6[%dma_wait3A_139, %dma_wait3A_140] : memref<64x1024xf32, #tpu.memory_space<vmem>> -> memref<32x1024xf32, #tpu.memory_space<vmem>>
    %dma_wait3A_142 = arith.constant 0 : i32
    %dma_wait3A_143 = tpu.memref_slice %arg4[%add3A_138, %dma_wait3A_142] : memref<32768x1024xf32, #tpu.memory_space<hbm>> -> memref<32x1024xf32, #tpu.memory_space<hbm>>
    %dma_wait3A_144 = arith.constant 0 : i32
    %dma_wait3A_145 = tpu.memref_slice %arg4[%add3A_138, %dma_wait3A_144] : memref<32768x1024xf32, #tpu.memory_space<hbm>> -> memref<32x1024xf32, #tpu.memory_space<hbm>>
    %dma_wait3A_146 = arith.constant 32 : i32
    %dma_wait3A_147 = arith.constant 0 : i32
    %dma_wait3A_148 = tpu.memref_slice %arg6[%dma_wait3A_146, %dma_wait3A_147] : memref<64x1024xf32, #tpu.memory_space<vmem>> -> memref<32x1024xf32, #tpu.memory_space<vmem>>
    tpu.wait_dma2 semaphore(%arg10 : memref<!tpu.dma_semaphore, #tpu.memory_space<semaphore_mem>>) src(%dma_wait3A_148 : memref<32x1024xf32, #tpu.memory_space<vmem>>) dst(%dma_wait3A_145 : memref<32x1024xf32, #tpu.memory_space<hbm>>)
    return
  }
}

</mosaic_0001>

<sc_bundles>
// kernel: _sc_gather.3.cloned.1.call-start
scs
__scs_entry_jumppad:
0x0: {  	(pc) =	sbr.rel $0x88, $3  }
0x1: {  	(tag) =	ssettag $0x0;
	lr =	simm.s32 $0x1  }
0x2: {  	[smem:$0x3F9F] =	sst lr;
	_ =	strace $0xD0000000  }
0x3: {  	_ = 	snop  }
0x4: {  	_ = 	snop  }
0x5: {  	_ = 	snop  }
0x6: {  	_ = 	snop  }
0x7: {  	_ = 	snop  }
__scs_overlays_trampoline_lowered:
0x8: {  	[smem:$0x3FAE] =	sst s0  }
0x9: {  	[smem:$0x3FAF] =	sst s1  }
0xa: {  	[smem:$0x3FB0] =	sst s2  }
0xb: {  	[smem:$0x3FB1] =	sst s3  }
0xc: {  	[smem:$0x3FB2] =	sst s4  }
0xd: {  	[smem:$0x3FB3] =	sst s5  }
0xe: {  	[smem:$0x3FB4] =	sst s6  }
0xf: {  	[smem:$0x3FB5] =	sst s7  }
0x10: {  	[smem:$0x3FB6] =	sst s8  }
0x11: {  	[smem:$0x3FB7] =	sst s9;
	s0 =	simm.s32 @!p0 $0x0  }
0x12: {  	s1 =	sld [smem:$0x3F9D];
	s0 =	simm.s32 @p0 $0x1  }
0x13: {  	[smem:$0x3FB8] =	sst s0;
	s0 =	simm.s32 @!p1 $0x0  }
0x14: {  	s2 =	sld [smem:$0x3F9C];
	s0 =	simm.s32 @p1 $0x1  }
0x15: {  	[smem:$0x3FB9] =	sst s0;
	s0 =	simm.s32 @!p2 $0x0  }
0x16: {  	s3 =	sld [smem:$0x3FDB];
	s0 =	simm.s32 @p2 $0x1  }
0x17: {  	s4 =	simm.s32 $0x1BF5;
	[smem:$0x3FBB] =	sst s0  }
0x18: {  	s0 =	sld [smem:$0x3F9E];
	_ =	swait.ge [sflag:s4], $0x0  }
0x19: {  	s7 =	sld [smem:$0x3F9F]  }
0x1a: {  	s8 =	sadd.s32 $0xFFFFE003, lr  }
0x1b: {  	s9 =	sadd.s32 $0xFFFFFEF7, lr;
	s5 =	simm.s32 $0xFFFFFFFF;
	p2 =	slt.u32 s8, $0xFFFFF086  }
0x1c: {  	p1 =	slt.u32 s9, $0xF7A;
	s5 =	simm.s32 @!p2 $0x0  }
0x1d: {  	s5 =	simm.s32 @p1 $0x1;
	p0 =	seq.s32 s7, s2  }
0x1e: {  	s7 =	smul.u32 @!p0 $0xF7A, s2;
	p2 =	seq.s32 @!p0 s5, $0x0  }
0x1f: {  	s9 =	smul.u32 $0xF7A, s1;
	s8 =	simm.s32 @!p0 $0x1BF5;
	p2 =	por !p2, p0  }
0x20: {  	[sflag:s8] =	ssyncset.s32 @!p0 $0xFFFFF086;
	s6 =	sadd.s32 @!p0 s3, s7;
	s7 =	simm.s32 @!p0 $0x108  }
0x21: {  	s3 =	sadd.s32 s3, s9;
	s6 =	sadd.s32 @!p0 $0x88, s6;
	s7 =	simm.s32 @p2 $0x1082  }
0x22: {  	[simem:s7], [sflag:s8] =	dma.local @!p0 [hbm:s6], $0xF7A  }
0x23: {  	s9 =	sor.u32 $0xD0000000, s2;
	s6 =	simm.s32 $0x108;
	_ =	swait.ge @!p0 [sflag:s8], $0x0  }
0x24: {  	s3 =	sadd.s32 $0x88, s3;
	s6 =	simm.s32 @!p1 $0x1082;
	[sflag:s4] =	ssyncset.s32 $0xFFFFF086  }
0x25: {  	[simem:s6], [sflag:s4] =	dma.local [hbm:s3], $0xF7A  }
0x26: {  	[smem:$0x3F9F] =	sst s1;
	(tag) =	ssettag s2;
	_ =	strace s9  }
0x27: {  	s1 =	sld [smem:$0x3FAF]  }
0x28: {  	s2 =	sld [smem:$0x3FB0]  }
0x29: {  	s4 =	sld [smem:$0x3FB2]  }
0x2a: {  	p0 =	seq.s32 s5, $0x0;
	s5 =	sld [smem:$0x3FB3]  }
0x2b: {  	s6 =	sld [smem:$0x3FB4]  }
0x2c: {  	s7 =	sld [smem:$0x3FB5]  }
0x2d: {  	s3 =	simm.s32 $0x108;
	s8 =	sld [smem:$0x3FB6]  }
0x2e: {  	s3 =	simm.s32 @!p0 $0x1082;
	s9 =	sld [smem:$0x3FB7]  }
0x2f: {  	lr =	sadd.s32 s0, s3;
	s0 =	sld [smem:$0x3FAE]  }
0x30: {  	s3 =	sld [smem:$0x3FB1]  }
0x31: {  	[smem:$0x3FBA] =	sst s10  }
0x32: {  	s10 =	sld [smem:$0x3FB8];
	_ =	sdelay $0x3  }
0x33: {  	p0 =	seq.s32 s10, $0x1;
	s10 =	sld [smem:$0x3FBA];
	_ =	sdelay $0x3  }
0x34: {  	[smem:$0x3FBA] =	sst s10  }
0x35: {  	s10 =	sld [smem:$0x3FB9];
	_ =	sdelay $0x3  }
0x36: {  	p1 =	seq.s32 s10, $0x1;
	s10 =	sld [smem:$0x3FBA];
	_ =	sdelay $0x3  }
0x37: {  	[smem:$0x3FBA] =	sst s10  }
0x38: {  	s10 =	sld [smem:$0x3FBB]  }
0x39: {  	_ = 	snop;
	(pc) =	sbr.ind lr, $3  }
0x3a: {  	_ = 	snop  }
0x3b: {  	_ = 	snop  }
0x3c: {  	p2 =	seq.s32 s10, $0x1;
	s10 =	sld [smem:$0x3FBA]  }
0x3d: {  	_ =	shalt  }
0x3e: {  	_ =	shalt  }
0x3f: {  	_ =	shalt  }
0x40: {  	_ =	shalt  }
0x41: {  	_ =	shalt  }
0x42: {  	_ =	shalt  }
0x43: {  	_ =	shalt  }
0x44: {  	_ =	shalt  }
0x45: {  	_ =	shalt  }
0x46: {  	_ =	shalt  }
0x47: {  	_ =	shalt  }
0x48: {  	_ =	shalt  }
0x49: {  	_ =	shalt  }
0x4a: {  	_ =	shalt  }
0x4b: {  	_ =	shalt  }
0x4c: {  	_ =	shalt  }
0x4d: {  	_ =	shalt  }
0x4e: {  	_ =	shalt  }
0x4f: {  	_ =	shalt  }
0x50: {  	_ =	shalt  }
0x51: {  	_ =	shalt  }
0x52: {  	_ =	shalt  }
0x53: {  	_ =	shalt  }
0x54: {  	_ =	shalt  }
0x55: {  	_ =	shalt  }
0x56: {  	_ =	shalt  }
0x57: {  	_ =	shalt  }
0x58: {  	_ =	shalt  }
0x59: {  	_ =	shalt  }
0x5a: {  	_ =	shalt  }
0x5b: {  	_ =	shalt  }
0x5c: {  	_ =	shalt  }
0x5d: {  	_ =	shalt  }
0x5e: {  	_ =	shalt  }
0x5f: {  	_ =	shalt  }
0x60: {  	_ =	shalt  }
0x61: {  	_ =	shalt  }
0x62: {  	_ =	shalt  }
0x63: {  	_ =	shalt  }
0x64: {  	_ =	shalt  }
0x65: {  	_ =	shalt  }
0x66: {  	_ =	shalt  }
0x67: {  	_ =	shalt  }
0x68: {  	_ =	shalt  }
0x69: {  	_ =	shalt  }
0x6a: {  	_ =	shalt  }
0x6b: {  	_ =	shalt  }
0x6c: {  	_ =	shalt  }
0x6d: {  	_ =	shalt  }
0x6e: {  	_ =	shalt  }
0x6f: {  	_ =	shalt  }
0x70: {  	_ =	shalt  }
0x71: {  	_ =	shalt  }
0x72: {  	_ =	shalt  }
0x73: {  	_ =	shalt  }
0x74: {  	_ =	shalt  }
0x75: {  	_ =	shalt  }
0x76: {  	_ =	shalt  }
0x77: {  	_ =	shalt  }
0x78: {  	_ =	shalt  }
0x79: {  	_ =	shalt  }
0x7a: {  	_ =	shalt  }
0x7b: {  	_ =	shalt  }
0x7c: {  	_ =	shalt  }
0x7d: {  	_ =	shalt  }
0x7e: {  	_ =	shalt  }
0x7f: {  	_ =	shalt  }
0x80: {  	_ =	shalt  }
0x81: {  	_ =	shalt  }
0x82: {  	_ =	shalt  }
0x83: {  	_ =	shalt  }
0x84: {  	_ =	shalt  }
0x85: {  	_ =	shalt  }
0x86: {  	_ =	shalt  }
0x87: {  	_ =	shalt  }
.Lfunc_end0:
.L_simem_size_0:
called_computation_lowered:
.L_overlay_start_0:
0x88: {  	s2 =	sld [smem:$0x3FD9]  }
0x89: {  	s3 =	sld [smem:$0x3FFE];
	_ =	sdelay $0x1  }
0x8a: {  	s1 =	srdreg.scid  }
0x8b: {  	s0 =	sand.u32 $0x1, s1  }
0x8c: {  	s18 =	sshll.u32 s0, $0xA;
	s2 =	sadd.s32 s3, s2  }
0x8d: {  	s2 =	sadd.s32 s2, s18  }
0x8e: {  	[smem:$0x3FC6] =	sst s2  }
0x8f: {  	_ = 	snop  }
0x90: {  	s2 =	sld [smem:$0x3FC9]  }
0x91: {  	s19 =	sld [smem:$0x3FC8]  }
0x92: {  	s4 =	sld [smem:$0x3FD0];
	(tm) =	ssettm $0x1  }
0x93: {  	s5 =	sld [smem:$0x3FFB];
	_ =	sdelay $0x3  }
0x94: {  	_ =	strace s5  }
0x95: {  	s5 =	sld [smem:$0x3FFC];
	_ =	sdelay $0x3  }
0x96: {  	_ =	strace s5  }
0x97: {  	s5 =	sld [smem:$0x3FFD];
	_ =	sdelay $0x3  }
0x98: {  	_ =	strace s5  }
0x99: {  	_ =	strace $0x8FFFFFFF  }
0x9a: {  	s20 =	sld [smem:$0x3FDB];
	_ =	sdelay $0x1  }
0x9b: {  	s6 =	simm.s32 $_scs_section_size  }
0x9c: {  	s7 =	simm.s32 $_size__tile_overlayer_lowered;
	s8 =	simm.s32 $_tile_overlayer_lowered  }
0x9d: {  	s23 =	simm.s32 $0x1BFF;
	s22 =	sshll.u32 s8, $0x1;
	s5 =	sadd.s32 s6, s20  }
0x9e: {  	s9 =	simm.s32 $0x0;
	s21 =	sshll.u32 s7, $0x1;
	s7 =	sadd.s32 s22, s5  }
0x9f: {  	[timem:s9], [sflag:s23] =	dma.local [hbm:s7], s21  }
0xa0: {  	_ =	swait.ge [sflag:s23], s21  }
0xa1: {  	s6 =	ssub.s32 $0x0, s21;
	[sflag:s23] =	ssyncset.done $0x0  }
0xa2: {  	[sflag:s23] =	ssyncadd.s32 s6;
	_ =	sdelay $0x1  }
0xa3: {  	s24 =	simm.s32 $0x1B8B  }
0xa4: {  	_ =	swait.ge [sflag:s24], $0x1  }
0xa5: {  	[sflag:s24] =	ssyncset.done $0x0  }
0xa6: {  	s25 =	simm.s32 $0x1B8E;
	[sflag:s24] =	ssyncadd.s32 $0xFFFFFFFF  }
0xa7: {  	s26 =	simm.s32 $execute0_lowered;
	[smem:$0x3FD2] =	sst s25  }
0xa8: {  	s6 =	sshll.u32 s26, $0x1;
	_ =	strace $0x80000046;
	[dreg:$0x1] =	wrdreg $0xFFFFFFFF  }
0xa9: {  	s28 =	simm.s32 $_size_execute0_lowered;
	s5 =	sadd.s32 s5, s6;
	[dreg:$0x0] =	wrdreg $0x0  }
0xaa: {  	s6 =	sshll.u32 s28, $0x1;
	[dreg:$0x2] =	wrdreg s5  }
0xab: {  	[dreg:$0x3] =	wrdreg s6  }
0xac: {  	[dreg:$0x4] =	wrdreg $0xC0  }
0xad: {  	_ =	task [dreg:s9], $0x5FFFF  }
0xae: {  	[dreg:$0x1] =	wrdreg $0xFFFFFFFF  }
0xaf: {  	[dreg:$0x0] =	wrdreg $0x60  }
0xb0: {  	[dreg:$0x2] =	wrdreg s2  }
0xb1: {  	[dreg:$0x3] =	wrdreg s19  }
0xb2: {  	[dreg:$0x4] =	wrdreg s4  }
0xb3: {  	[dreg:$0x5] =	wrdreg $0x9  }
0xb4: {  	_ =	task.clear_ibuf [dreg:s9], $0x6FFFF;
	_ =	strace $0x90000046  }
0xb5: {  	s29 =	simm.s32 $0x9;
	_ =	strace $0x80000048  }
0xb6: {  	_ =	swait.ge [sflag:s29], $0x1  }
0xb7: {  	[sflag:s29] =	ssyncadd.s32 $0xFFFFFFFF  }
0xb8: {  	_ =	strace $0x90000048  }
0xb9: {  	_ =	sfence  }
0xba: {  	s30 =	sld [smem:$0x0];
	_ =	sdelay $0x2  }
0xbb: {  	s31 =	sshll.u32 s1, $0xD;
	s1 =	sshrl.u32 s1, $0x2  }
0xbc: {  	s3 =	sand.u32 $0x4000, s31;
	s1 =	sadd.s32 s1, s30  }
0xbd: {  	s0 =	sor.u32 s3, s0;
	s1 =	sshll.u32 s1, $0x11  }
0xbe: {  	s0 =	sor.u32 s1, s0  }
0xbf: {  	s0 =	sadd.s32 $0x8F2B, s0  }
0xc0: {  	[sflag:s0] =	ssyncadd.remote.s32 $0x1  }
0xc1: {  	_ =	sfence.sel $0xFFFF  }
0xc2: {  	[dreg:$0x0] =	wrdreg $0xFFFFFFFF;
	(pc) =	sbr.abs _section_cstart, $3  }
0xc3: {  	[dreg:$0x1] =	wrdreg $0xFFFFFFFF  }
0xc4: {  	_ =	task.clear_ibuf [dreg:s9], $0x2FFFF;
	_ =	strace $0x9FFFFFFF  }
0xc5: {  	(tm) =	ssettm $0x7FFFFFFF  }
tec
execute0_lowered:
.L_overlay_start_1:
0x0: {  	(tag) =	ssettag $0x1  }
0x1: {  	s1 =	rddreg [dreg:$0x0]  }
0x2: {  	s0 =	rddreg [dreg:$0x1]  }
0x3: {  	s2 =	rddreg [dreg:$0x2];
	s3 =	simm.s32 $0x0;
	s4 =	srdreg.scid  }
0x4: {  	s10 =	stileid.u32;
	s14 =	simm.s32 $0x400;
	s29 =	simm.s32 $0xC00  }
0x5: {  	s31 =	simm.s32 $0x1;
	s30 =	simm.s32 $0x9C00;
	s11 =	simm.s32 $0xA400  }
0x6: {  	s12 =	simm.s32 $0xAC00;
	s13 =	simm.s32 $0xD400;
	s15 =	simm.s32 $0xDC00  }
0x7: {  	s16 =	simm.s32 $0xE400;
	s17 =	simm.s32 $0xEC00;
	s18 =	simm.s32 $0xF400  }
0x8: {  	s19 =	simm.s32 $0xFC00;
	[smem:$0x7FF] =	sst s3;
	s4 =	sand.u32 $0x1, s4  }
0x9: {  	s5 =	sshll.u32 s10, $0x1;
	s20 =	sshll.u32 s10, $0x2;
	s22 =	sshll.u32 s10, $0x12  }
0xa: {  	s10 =	simm.s32 $0xC400;
	_ =	strace $0x80000047;
	s7 =	sor.u32 s4, s5  }
0xb: {  	s6 =	ssub.s32 $0x2, s4;
	s5 =	sand.u32 $0x30, s20;
	s24 =	sadd.s32 s22, s2  }
0xc: {  	s25 =	sshll.u32 s4, $0x11;
	s4 =	simm.s32 $0x0;
	s20 =	simm.s32 $0x7C00  }
0xd: {  	s22 =	simm.s32 $0x9400;
	s8 =	sshll.u32 s7, $0x9;
	s9 =	sshrl.u32 s6, $0x1  }
0xe: {  	s0 =	sadd.s32 s0, s5;
	s5 =	sadd.s32 $0x100, s1;
	s21 =	sshll.u32 s7, $0x11  }
0xf: {  	s7 =	simm.s32 $0xCC00;
	s8 =	sand.u32 $0xE00, s8;
	s9 =	ssub.s32 s6, s9  }
0x10: {  	s6 =	sadd.s32 $0x200, s1;
	s23 =	sadd.s32 s2, s21;
	s2 =	simm.s32 $0x8400  }
0x11: {  	s21 =	simm.s32 $0x8C00;
	s0 =	sadd.s32 s8, s0;
	[dreg:$0x6] =	wrdreg s23  }
0x12: {  	s8 =	sadd.s32 $0x300, s1;
	s26 =	sadd.s32 $0x1000, s23;
	[dreg:$0x5] =	wrdreg s0  }
0x13: {  	v2 =	vlaneseq.u32;
	s28 =	smax.u32 s9, $0x1;
	s23 =	simm.s32 $0x3;
	[dreg:$0x7] =	wrdreg s26  }
0x14: {  	vm0 =	vmmov $0xffff;
	v1 =	vshrl.u32 v2, $0x3;
	s9 =	simm.s32 $0xBC00;
	s0 =	sadd.s32 s25, s24;
	[dreg:$0x8] =	wrdreg s28  }
0x15: {  	v0 =	vand.u32 $0x7, v2;
	v2 =	vor.u32 $0x8, v2;
	v1 =	vmul.u32 $0x8, v1;
	s24 =	simm.s32 $0x4;
	[dreg:$0x4] =	wrdreg s0;
	s0 =	simm.s32 $0x2  }
.LBB2_1:
0x16: {  	[dreg:$0x9] =	wrdreg s4  }
0x17: {  	s25 =	rddreg [dreg:$0x5]  }
0x18: {  	s26 =	simm.s32 $0x80;
	s28 =	simm.s32 $0x200;
	s4 =	simm.s32 $0x5  }
0x19: {  	[tilespmem:s3], [sflag:$0x5] =	stream.strided.gather [hbm4b:s25+s26], $0x400, s28, s26, $0x38;
	[tilespmem:$0x10400] =	vst v63  }
0x1a: {  	_ =	swait.ge [sflag:s4], $0x400  }
0x1b: {  	[sflag:s4] =	ssyncset.done $0x0  }
0x1c: {  	[sflag:s4] =	ssyncadd.s32 $0xFFFFFC00  }
0x1d: {  	v3 =	vld [tilespmem:$0x0];
	_ =	sdelay $0x4  }
0x1e: {  	v4 =	vshll.u32 v3, $0x3  }
0x1f: {  	v3 =	vand.u32 $0x7, v3;
	v4 =	vand.u32 $0xFFFFFFC0, v4  }
0x20: {  	v3 =	vor.u32 v3, v4  }
0x21: {  	v4 =	vperm.xlane v3, v0;
	_ =	sdelay $0x1  }
0x22: {  	v4 =	vadd.s32 v1, v4;
	_ =	sdelay $0x4  }
0x23: {  	[tilespmem:s14], [sflag:$0x1] =	stream.indirect_vreg.gather [hbm4b:s1+s3], $0x80, v4, vm0, $0xb8;
	[tilespmem:$0x10400] =	vst v63  }
0x24: {  	v3 =	vperm.xlane v3, v2  }
0x25: {  	[tilespmem:s29], [sflag:$0x1] =	stream.indirect_vreg.gather [hbm4b:s5+s3], $0x80, v4, vm0, $0xb8;
	[tilespmem:$0x10400] =	vst v63  }
0x26: {  	s25 =	simm.s32 $0x1400;
	v3 =	vadd.s32 v1, v3  }
0x27: {  	[tilespmem:s25], [sflag:$0x1] =	stream.indirect_vreg.gather [hbm4b:s6+s3], $0x80, v4, vm0, $0xb8;
	[tilespmem:$0x10400] =	vst v63  }
0x28: {  	s26 =	simm.s32 $0x1C00  }
0x29: {  	[tilespmem:s26], [sflag:$0x1] =	stream.indirect_vreg.gather [hbm4b:s8+s3], $0x80, v4, vm0, $0xb8;
	[tilespmem:$0x10400] =	vst v63  }
0x2a: {  	s28 =	simm.s32 $0x2400  }
0x2b: {  	[tilespmem:s28], [sflag:$0x1] =	stream.indirect_vreg.gather [hbm4b:s1+s3], $0x80, v3, vm0, $0xb8;
	[tilespmem:$0x10400] =	vst v63  }
0x2c: {  	s25 =	simm.s32 $0x2C00  }
0x2d: {  	[tilespmem:s25], [sflag:$0x1] =	stream.indirect_vreg.gather [hbm4b:s5+s3], $0x80, v3, vm0, $0xb8;
	[tilespmem:$0x10400] =	vst v63  }
0x2e: {  	s26 =	simm.s32 $0x3400  }
0x2f: {  	[tilespmem:s26], [sflag:$0x1] =	stream.indirect_vreg.gather [hbm4b:s6+s3], $0x80, v3, vm0, $0xb8;
	[tilespmem:$0x10400] =	vst v63  }
0x30: {  	s28 =	simm.s32 $0x3C00  }
0x31: {  	[tilespmem:s28], [sflag:$0x1] =	stream.indirect_vreg.gather [hbm4b:s8+s3], $0x80, v3, vm0, $0xb8;
	[tilespmem:$0x10400] =	vst v63  }
0x32: {  	v3 =	vld [tilespmem:$0x10];
	_ =	sdelay $0x4  }
0x33: {  	v61 =	vshll.u32 v3, $0x3  }
0x34: {  	v3 =	vand.u32 $0x7, v3;
	v4 =	vand.u32 $0xFFFFFFC0, v61  }
0x35: {  	v3 =	vor.u32 v3, v4  }
0x36: {  	v4 =	vperm.xlane v3, v0;
	_ =	sdelay $0x1  }
0x37: {  	v4 =	vadd.s32 v1, v4;
	_ =	sdelay $0x3  }
0x38: {  	s25 =	simm.s32 $0x4400  }
0x39: {  	[tilespmem:s25], [sflag:$0x2] =	stream.indirect_vreg.gather [hbm4b:s1+s3], $0x80, v4, vm0, $0xb8;
	[tilespmem:$0x10400] =	vst v63  }
0x3a: {  	s26 =	simm.s32 $0x4C00;
	v3 =	vperm.xlane v3, v2  }
0x3b: {  	[tilespmem:s26], [sflag:$0x2] =	stream.indirect_vreg.gather [hbm4b:s5+s3], $0x80, v4, vm0, $0xb8;
	[tilespmem:$0x10400] =	vst v63  }
0x3c: {  	s28 =	simm.s32 $0x5400;
	v3 =	vadd.s32 v1, v3  }
0x3d: {  	[tilespmem:s28], [sflag:$0x2] =	stream.indirect_vreg.gather [hbm4b:s6+s3], $0x80, v4, vm0, $0xb8;
	[tilespmem:$0x10400] =	vst v63  }
0x3e: {  	s25 =	simm.s32 $0x5C00  }
0x3f: {  	[tilespmem:s25], [sflag:$0x2] =	stream.indirect_vreg.gather [hbm4b:s8+s3], $0x80, v4, vm0, $0xb8;
	[tilespmem:$0x10400] =	vst v63  }
0x40: {  	s26 =	simm.s32 $0x6400  }
0x41: {  	[tilespmem:s26], [sflag:$0x2] =	stream.indirect_vreg.gather [hbm4b:s1+s3], $0x80, v3, vm0, $0xb8;
	[tilespmem:$0x10400] =	vst v63  }
0x42: {  	s28 =	simm.s32 $0x6C00  }
0x43: {  	[tilespmem:s28], [sflag:$0x2] =	stream.indirect_vreg.gather [hbm4b:s5+s3], $0x80, v3, vm0, $0xb8;
	[tilespmem:$0x10400] =	vst v63  }
0x44: {  	s25 =	simm.s32 $0x7400  }
0x45: {  	[tilespmem:s25], [sflag:$0x2] =	stream.indirect_vreg.gather [hbm4b:s6+s3], $0x80, v3, vm0, $0xb8;
	[tilespmem:$0x10400] =	vst v63  }
0x46: {  	_ = 	snop  }
0x47: {  	[tilespmem:s20], [sflag:$0x2] =	stream.indirect_vreg.gather [hbm4b:s8+s3], $0x80, v3, vm0, $0xb8;
	[tilespmem:$0x10400] =	vst v63  }
0x48: {  	_ =	swait.ge [sflag:s31], $0x4000  }
0x49: {  	[sflag:s31] =	ssyncset.done $0x0  }
0x4a: {  	[sflag:s31] =	ssyncadd.s32 $0xFFFFC000  }
0x4b: {  	_ =	swait.ge [sflag:s0], $0x4000  }
0x4c: {  	[sflag:s0] =	ssyncset.done $0x0  }
0x4d: {  	s26 =	rddreg [dreg:$0x6];
	[sflag:s0] =	ssyncadd.s32 $0xFFFFC000  }
0x4e: {  	[hbm4b:s26+s3] =	stream.linear.scatter [tilespmem:s14], [sflag:$0x3], $0x8000, $0x38;
	[tilespmem:$0x10400] =	vst v63  }
0x4f: {  	v3 =	vld [tilespmem:$0x20];
	_ =	sdelay $0x4  }
0x50: {  	v62 =	vshll.u32 v3, $0x3  }
0x51: {  	v3 =	vand.u32 $0x7, v3;
	v4 =	vand.u32 $0xFFFFFFC0, v62  }
0x52: {  	v3 =	vor.u32 v3, v4  }
0x53: {  	v4 =	vperm.xlane v3, v0;
	_ =	sdelay $0x1  }
0x54: {  	v4 =	vadd.s32 v1, v4;
	_ =	sdelay $0x4  }
0x55: {  	[tilespmem:s2], [sflag:$0x1] =	stream.indirect_vreg.gather [hbm4b:s1+s3], $0x80, v4, vm0, $0xb8;
	[tilespmem:$0x10400] =	vst v63  }
0x56: {  	v3 =	vperm.xlane v3, v2  }
0x57: {  	[tilespmem:s21], [sflag:$0x1] =	stream.indirect_vreg.gather [hbm4b:s5+s3], $0x80, v4, vm0, $0xb8;
	[tilespmem:$0x10400] =	vst v63  }
0x58: {  	v3 =	vadd.s32 v1, v3  }
0x59: {  	[tilespmem:s22], [sflag:$0x1] =	stream.indirect_vreg.gather [hbm4b:s6+s3], $0x80, v4, vm0, $0xb8;
	[tilespmem:$0x10400] =	vst v63  }
0x5a: {  	_ = 	snop  }
0x5b: {  	[tilespmem:s30], [sflag:$0x1] =	stream.indirect_vreg.gather [hbm4b:s8+s3], $0x80, v4, vm0, $0xb8;
	[tilespmem:$0x10400] =	vst v63  }
0x5c: {  	_ = 	snop  }
0x5d: {  	[tilespmem:s11], [sflag:$0x1] =	stream.indirect_vreg.gather [hbm4b:s1+s3], $0x80, v3, vm0, $0xb8;
	[tilespmem:$0x10400] =	vst v63  }
0x5e: {  	_ = 	snop  }
0x5f: {  	[tilespmem:s12], [sflag:$0x1] =	stream.indirect_vreg.gather [hbm4b:s5+s3], $0x80, v3, vm0, $0xb8;
	[tilespmem:$0x10400] =	vst v63  }
0x60: {  	s4 =	simm.s32 $0xB400  }
0x61: {  	[tilespmem:s4], [sflag:$0x1] =	stream.indirect_vreg.gather [hbm4b:s6+s3], $0x80, v3, vm0, $0xb8;
	[tilespmem:$0x10400] =	vst v63  }
0x62: {  	_ = 	snop  }
0x63: {  	[tilespmem:s9], [sflag:$0x1] =	stream.indirect_vreg.gather [hbm4b:s8+s3], $0x80, v3, vm0, $0xb8;
	[tilespmem:$0x10400] =	vst v63  }
0x64: {  	v3 =	vld [tilespmem:$0x30];
	_ =	sdelay $0x4  }
0x65: {  	v63 =	vshll.u32 v3, $0x3  }
0x66: {  	v3 =	vand.u32 $0x7, v3;
	v4 =	vand.u32 $0xFFFFFFC0, v63  }
0x67: {  	v3 =	vor.u32 v3, v4  }
0x68: {  	v4 =	vperm.xlane v3, v0;
	_ =	sdelay $0x1  }
0x69: {  	v4 =	vadd.s32 v1, v4;
	_ =	sdelay $0x4  }
0x6a: {  	[tilespmem:s10], [sflag:$0x2] =	stream.indirect_vreg.gather [hbm4b:s1+s3], $0x80, v4, vm0, $0xb8;
	[tilespmem:$0x10400] =	vst v63  }
0x6b: {  	v3 =	vperm.xlane v3, v2  }
0x6c: {  	[tilespmem:s7], [sflag:$0x2] =	stream.indirect_vreg.gather [hbm4b:s5+s3], $0x80, v4, vm0, $0xb8;
	[tilespmem:$0x10400] =	vst v63  }
0x6d: {  	v3 =	vadd.s32 v1, v3  }
0x6e: {  	[tilespmem:s13], [sflag:$0x2] =	stream.indirect_vreg.gather [hbm4b:s6+s3], $0x80, v4, vm0, $0xb8;
	[tilespmem:$0x10400] =	vst v63  }
0x6f: {  	_ = 	snop  }
0x70: {  	[tilespmem:s15], [sflag:$0x2] =	stream.indirect_vreg.gather [hbm4b:s8+s3], $0x80, v4, vm0, $0xb8;
	[tilespmem:$0x10400] =	vst v63  }
0x71: {  	_ = 	snop  }
0x72: {  	[tilespmem:s16], [sflag:$0x2] =	stream.indirect_vreg.gather [hbm4b:s1+s3], $0x80, v3, vm0, $0xb8;
	[tilespmem:$0x10400] =	vst v63  }
0x73: {  	_ = 	snop  }
0x74: {  	[tilespmem:s17], [sflag:$0x2] =	stream.indirect_vreg.gather [hbm4b:s5+s3], $0x80, v3, vm0, $0xb8;
	[tilespmem:$0x10400] =	vst v63  }
0x75: {  	_ = 	snop  }
0x76: {  	[tilespmem:s18], [sflag:$0x2] =	stream.indirect_vreg.gather [hbm4b:s6+s3], $0x80, v3, vm0, $0xb8;
	[tilespmem:$0x10400] =	vst v63  }
0x77: {  	_ = 	snop  }
0x78: {  	[tilespmem:s19], [sflag:$0x2] =	stream.indirect_vreg.gather [hbm4b:s8+s3], $0x80, v3, vm0, $0xb8;
	[tilespmem:$0x10400] =	vst v63  }
0x79: {  	_ =	swait.ge [sflag:s31], $0x4000  }
0x7a: {  	[sflag:s31] =	ssyncset.done $0x0  }
0x7b: {  	[sflag:s31] =	ssyncadd.s32 $0xFFFFC000  }
0x7c: {  	_ =	swait.ge [sflag:s0], $0x4000  }
0x7d: {  	s25 =	simm.s32 $0xFFFE2000;
	[sflag:s0] =	ssyncset.done $0x0  }
0x7e: {  	s26 =	simm.s32 $0x70;
	s28 =	rddreg [dreg:$0x7];
	[sflag:s0] =	ssyncadd.s32 $0xFFFFC000  }
0x7f: {  	[hbm4b:s28+s3] =	stream.linear.scatter [tilespmem:s2], [sflag:$0x4], $0x8000, $0x38;
	[tilespmem:$0x10400] =	vst v63  }
.LBB2_2:
0x80: {  	_ =	swait.ge [sflag:s23], $0x8000  }
0x81: {  	[sflag:s23] =	ssyncset.done $0x0  }
0x82: {  	[sflag:s23] =	ssyncadd.s32 $0xFFFF8000  }
0x83: {  	v3 =	vld [tilespmem:s26+$0xFFFFFFD0];
	_ =	sdelay $0x4  }
0x84: {  	v4 =	vshll.u32 v3, $0x3  }
0x85: {  	v3 =	vand.u32 $0x7, v3;
	v4 =	vand.u32 $0xFFFFFFC0, v4  }
0x86: {  	v3 =	vor.u32 v3, v4  }
0x87: {  	v4 =	vperm.xlane v3, v0;
	_ =	sdelay $0x1  }
0x88: {  	v4 =	vadd.s32 v1, v4;
	_ =	sdelay $0x4  }
0x89: {  	[tilespmem:s14], [sflag:$0x1] =	stream.indirect_vreg.gather [hbm4b:s1+s3], $0x80, v4, vm0, $0xb8;
	[tilespmem:$0x10400] =	vst v63  }
0x8a: {  	v3 =	vperm.xlane v3, v2  }
0x8b: {  	[tilespmem:s29], [sflag:$0x1] =	stream.indirect_vreg.gather [hbm4b:s5+s3], $0x80, v4, vm0, $0xb8;
	[tilespmem:$0x10400] =	vst v63  }
0x8c: {  	s28 =	simm.s32 $0x1400;
	v3 =	vadd.s32 v1, v3  }
0x8d: {  	[tilespmem:s28], [sflag:$0x1] =	stream.indirect_vreg.gather [hbm4b:s6+s3], $0x80, v4, vm0, $0xb8;
	[tilespmem:$0x10400] =	vst v63  }
0x8e: {  	s28 =	simm.s32 $0x1C00  }
0x8f: {  	[tilespmem:s28], [sflag:$0x1] =	stream.indirect_vreg.gather [hbm4b:s8+s3], $0x80, v4, vm0, $0xb8;
	[tilespmem:$0x10400] =	vst v63  }
0x90: {  	s28 =	simm.s32 $0x2400  }
0x91: {  	[tilespmem:s28], [sflag:$0x1] =	stream.indirect_vreg.gather [hbm4b:s1+s3], $0x80, v3, vm0, $0xb8;
	[tilespmem:$0x10400] =	vst v63  }
0x92: {  	s28 =	simm.s32 $0x2C00  }
0x93: {  	[tilespmem:s28], [sflag:$0x1] =	stream.indirect_vreg.gather [hbm4b:s5+s3], $0x80, v3, vm0, $0xb8;
	[tilespmem:$0x10400] =	vst v63  }
0x94: {  	s28 =	simm.s32 $0x3400  }
0x95: {  	[tilespmem:s28], [sflag:$0x1] =	stream.indirect_vreg.gather [hbm4b:s6+s3], $0x80, v3, vm0, $0xb8;
	[tilespmem:$0x10400] =	vst v63  }
0x96: {  	s28 =	simm.s32 $0x3C00  }
0x97: {  	[tilespmem:s28], [sflag:$0x1] =	stream.indirect_vreg.gather [hbm4b:s8+s3], $0x80, v3, vm0, $0xb8;
	[tilespmem:$0x10400] =	vst v63  }
0x98: {  	v3 =	vld [tilespmem:s26+$0xFFFFFFE0];
	_ =	sdelay $0x4  }
0x99: {  	v61 =	vshll.u32 v3, $0x3  }
0x9a: {  	v3 =	vand.u32 $0x7, v3;
	v4 =	vand.u32 $0xFFFFFFC0, v61  }
0x9b: {  	v3 =	vor.u32 v3, v4  }
0x9c: {  	v4 =	vperm.xlane v3, v0;
	_ =	sdelay $0x1  }
0x9d: {  	v4 =	vadd.s32 v1, v4;
	_ =	sdelay $0x3  }
0x9e: {  	s28 =	simm.s32 $0x4400  }
0x9f: {  	[tilespmem:s28], [sflag:$0x2] =	stream.indirect_vreg.gather [hbm4b:s1+s3], $0x80, v4, vm0, $0xb8;
	[tilespmem:$0x10400] =	vst v63  }
0xa0: {  	v3 =	vperm.xlane v3, v2;
	s28 =	simm.s32 $0x4C00  }
0xa1: {  	[tilespmem:s28], [sflag:$0x2] =	stream.indirect_vreg.gather [hbm4b:s5+s3], $0x80, v4, vm0, $0xb8;
	[tilespmem:$0x10400] =	vst v63  }
0xa2: {  	v3 =	vadd.s32 v1, v3;
	s28 =	simm.s32 $0x5400  }
0xa3: {  	[tilespmem:s28], [sflag:$0x2] =	stream.indirect_vreg.gather [hbm4b:s6+s3], $0x80, v4, vm0, $0xb8;
	[tilespmem:$0x10400] =	vst v63  }
0xa4: {  	s28 =	simm.s32 $0x5C00  }
0xa5: {  	[tilespmem:s28], [sflag:$0x2] =	stream.indirect_vreg.gather [hbm4b:s8+s3], $0x80, v4, vm0, $0xb8;
	[tilespmem:$0x10400] =	vst v63  }
0xa6: {  	s28 =	simm.s32 $0x6400  }
0xa7: {  	[tilespmem:s28], [sflag:$0x2] =	stream.indirect_vreg.gather [hbm4b:s1+s3], $0x80, v3, vm0, $0xb8;
	[tilespmem:$0x10400] =	vst v63  }
0xa8: {  	s28 =	simm.s32 $0x6C00  }
0xa9: {  	[tilespmem:s28], [sflag:$0x2] =	stream.indirect_vreg.gather [hbm4b:s5+s3], $0x80, v3, vm0, $0xb8;
	[tilespmem:$0x10400] =	vst v63  }
0xaa: {  	s28 =	simm.s32 $0x7400  }
0xab: {  	[tilespmem:s28], [sflag:$0x2] =	stream.indirect_vreg.gather [hbm4b:s6+s3], $0x80, v3, vm0, $0xb8;
	[tilespmem:$0x10400] =	vst v63  }
0xac: {  	_ = 	snop  }
0xad: {  	[tilespmem:s20], [sflag:$0x2] =	stream.indirect_vreg.gather [hbm4b:s8+s3], $0x80, v3, vm0, $0xb8;
	[tilespmem:$0x10400] =	vst v63  }
0xae: {  	_ =	swait.ge [sflag:s31], $0x4000  }
0xaf: {  	[sflag:s31] =	ssyncset.done $0x0  }
0xb0: {  	[sflag:s31] =	ssyncadd.s32 $0xFFFFC000  }
0xb1: {  	_ =	swait.ge [sflag:s0], $0x4000  }
0xb2: {  	s28 =	rddreg [dreg:$0x4]  }
0xb3: {  	[sflag:s0] =	ssyncset.done $0x0;
	s28 =	sadd.s32 s25, s28  }
0xb4: {  	[sflag:s0] =	ssyncadd.s32 $0xFFFFC000;
	s29 =	sadd.s32 $0x20000, s28  }
0xb5: {  	[hbm4b:s29+s3] =	stream.linear.scatter [tilespmem:s14], [sflag:$0x3], $0x8000, $0x38;
	[tilespmem:$0x10400] =	vst v63  }
0xb6: {  	_ =	swait.ge [sflag:s24], $0x8000  }
0xb7: {  	[sflag:s24] =	ssyncset.done $0x0  }
0xb8: {  	[sflag:s24] =	ssyncadd.s32 $0xFFFF8000  }
0xb9: {  	v3 =	vld [tilespmem:s26+$0xFFFFFFF0];
	_ =	sdelay $0x4  }
0xba: {  	v62 =	vshll.u32 v3, $0x3  }
0xbb: {  	v3 =	vand.u32 $0x7, v3;
	v4 =	vand.u32 $0xFFFFFFC0, v62  }
0xbc: {  	v3 =	vor.u32 v3, v4  }
0xbd: {  	v4 =	vperm.xlane v3, v0;
	_ =	sdelay $0x1  }
0xbe: {  	v4 =	vadd.s32 v1, v4;
	_ =	sdelay $0x4  }
0xbf: {  	[tilespmem:s2], [sflag:$0x1] =	stream.indirect_vreg.gather [hbm4b:s1+s3], $0x80, v4, vm0, $0xb8;
	[tilespmem:$0x10400] =	vst v63  }
0xc0: {  	v3 =	vperm.xlane v3, v2  }
0xc1: {  	[tilespmem:s21], [sflag:$0x1] =	stream.indirect_vreg.gather [hbm4b:s5+s3], $0x80, v4, vm0, $0xb8;
	[tilespmem:$0x10400] =	vst v63  }
0xc2: {  	v3 =	vadd.s32 v1, v3  }
0xc3: {  	[tilespmem:s22], [sflag:$0x1] =	stream.indirect_vreg.gather [hbm4b:s6+s3], $0x80, v4, vm0, $0xb8;
	[tilespmem:$0x10400] =	vst v63  }
0xc4: {  	_ = 	snop  }
0xc5: {  	[tilespmem:s30], [sflag:$0x1] =	stream.indirect_vreg.gather [hbm4b:s8+s3], $0x80, v4, vm0, $0xb8;
	[tilespmem:$0x10400] =	vst v63  }
0xc6: {  	_ = 	snop  }
0xc7: {  	[tilespmem:s11], [sflag:$0x1] =	stream.indirect_vreg.gather [hbm4b:s1+s3], $0x80, v3, vm0, $0xb8;
	[tilespmem:$0x10400] =	vst v63  }
0xc8: {  	_ = 	snop  }
0xc9: {  	[tilespmem:s12], [sflag:$0x1] =	stream.indirect_vreg.gather [hbm4b:s5+s3], $0x80, v3, vm0, $0xb8;
	[tilespmem:$0x10400] =	vst v63  }
0xca: {  	_ = 	snop  }
0xcb: {  	[tilespmem:s4], [sflag:$0x1] =	stream.indirect_vreg.gather [hbm4b:s6+s3], $0x80, v3, vm0, $0xb8;
	[tilespmem:$0x10400] =	vst v63  }
0xcc: {  	_ = 	snop  }
0xcd: {  	[tilespmem:s9], [sflag:$0x1] =	stream.indirect_vreg.gather [hbm4b:s8+s3], $0x80, v3, vm0, $0xb8;
	[tilespmem:$0x10400] =	vst v63  }
0xce: {  	v3 =	vld [tilespmem:s26+$0x0];
	_ =	sdelay $0x4  }
0xcf: {  	v63 =	vshll.u32 v3, $0x3  }
0xd0: {  	v3 =	vand.u32 $0x7, v3;
	v4 =	vand.u32 $0xFFFFFFC0, v63  }
0xd1: {  	v3 =	vor.u32 v3, v4  }
0xd2: {  	v4 =	vperm.xlane v3, v0;
	_ =	sdelay $0x1  }
0xd3: {  	v4 =	vadd.s32 v1, v4;
	_ =	sdelay $0x4  }
0xd4: {  	[tilespmem:s10], [sflag:$0x2] =	stream.indirect_vreg.gather [hbm4b:s1+s3], $0x80, v4, vm0, $0xb8;
	[tilespmem:$0x10400] =	vst v63  }
0xd5: {  	v3 =	vperm.xlane v3, v2  }
0xd6: {  	[tilespmem:s7], [sflag:$0x2] =	stream.indirect_vreg.gather [hbm4b:s5+s3], $0x80, v4, vm0, $0xb8;
	[tilespmem:$0x10400] =	vst v63  }
0xd7: {  	v3 =	vadd.s32 v1, v3  }
0xd8: {  	[tilespmem:s13], [sflag:$0x2] =	stream.indirect_vreg.gather [hbm4b:s6+s3], $0x80, v4, vm0, $0xb8;
	[tilespmem:$0x10400] =	vst v63  }
0xd9: {  	_ = 	snop  }
0xda: {  	[tilespmem:s15], [sflag:$0x2] =	stream.indirect_vreg.gather [hbm4b:s8+s3], $0x80, v4, vm0, $0xb8;
	[tilespmem:$0x10400] =	vst v63  }
0xdb: {  	_ = 	snop  }
0xdc: {  	[tilespmem:s16], [sflag:$0x2] =	stream.indirect_vreg.gather [hbm4b:s1+s3], $0x80, v3, vm0, $0xb8;
	[tilespmem:$0x10400] =	vst v63  }
0xdd: {  	_ = 	snop  }
0xde: {  	[tilespmem:s17], [sflag:$0x2] =	stream.indirect_vreg.gather [hbm4b:s5+s3], $0x80, v3, vm0, $0xb8;
	[tilespmem:$0x10400] =	vst v63  }
0xdf: {  	_ = 	snop  }
0xe0: {  	[tilespmem:s18], [sflag:$0x2] =	stream.indirect_vreg.gather [hbm4b:s6+s3], $0x80, v3, vm0, $0xb8;
	[tilespmem:$0x10400] =	vst v63  }
0xe1: {  	_ = 	snop  }
0xe2: {  	[tilespmem:s19], [sflag:$0x2] =	stream.indirect_vreg.gather [hbm4b:s8+s3], $0x80, v3, vm0, $0xb8;
	[tilespmem:$0x10400] =	vst v63  }
0xe3: {  	_ =	swait.ge [sflag:s31], $0x4000  }
0xe4: {  	p0 =	sne.s32 s25, $0xFFFFE000;
	[sflag:s31] =	ssyncset.done $0x0  }
.Ltmp0:
0xe5: {  	[sflag:s31] =	ssyncadd.s32 $0xFFFFC000;
	(pc) =	sbr.rel @p0 .LBB2_2-.Ltmp0, $4  }
0xe6: {  	_ =	swait.ge [sflag:s0], $0x4000  }
0xe7: {  	s25 =	sadd.s32 $0x2000, s25;
	s28 =	sadd.s32 $0x21000, s28;
	[sflag:s0] =	ssyncset.done $0x0  }
0xe8: {  	s29 =	simm.s32 $0xC00;
	s26 =	sadd.s32 $0x40, s26;
	[sflag:s0] =	ssyncadd.s32 $0xFFFFC000  }
0xe9: {  	[hbm4b:s28+s3] =	stream.linear.scatter [tilespmem:s2], [sflag:$0x4], $0x8000, $0x38;
	[tilespmem:$0x10400] =	vst v63  }
0xea: {  	_ =	swait.ge [sflag:s23], $0x8000  }
0xeb: {  	[sflag:s23] =	ssyncset.done $0x0  }
0xec: {  	[sflag:s23] =	ssyncadd.s32 $0xFFFF8000  }
0xed: {  	_ =	swait.ge [sflag:s24], $0x8000  }
0xee: {  	s4 =	rddreg [dreg:$0x9]  }
0xef: {  	s25 =	rddreg [dreg:$0x8];
	s4 =	sadd.s32 $0x1, s4  }
0xf0: {  	p0 =	sne.s32 s4, s25  }
.Ltmp1:
0xf1: {  	_ = 	snop;
	(pc) =	sbr.rel @p0 .LBB2_1-.Ltmp1, $3  }
0xf2: {  	_ =	sdelay $0x1  }
0xf3: {  	[sflag:s24] =	ssyncset.done $0x0  }
0xf4: {  	[sflag:s24] =	ssyncadd.s32 $0xFFFF8000  }
0xf5: {  	_ =	sfence.sel $0x180000  }
0xf6: {  	[bflag:$0x0] =	sbarrier.arrive $0xFFFF  }
0xf7: {  	_ =	strace $0x90000047  }
0xf8: {  	s0 =	stileid.u32;
	[bflag:$0x2] =	sbarrier.arrive $0xFFFF  }
0xf9: {  	p0 =	sne.s32 s0, $0x0;
	s0 =	rddreg [dreg:$0x3]  }
0xfa: {  	s0 =	sadd.s32 @!p0 $0x100000, s0  }
0xfb: {  	[sflag:s0] =	ssyncadd.tile.s32 @!p0 $0x1;
	_ =	shalt  }
.Lfunc_end2:
_tile_overlayer_lowered:
.L_overlay_start_2:
0xfc: {  	(tag) =	ssettag $0x2  }
0xfd: {  	s0 =	rddreg [dreg:$0x0];
	s2 =	stileid.u32  }
0xfe: {  	s1 =	rddreg [dreg:$0x1];
	p0 =	sne.s32 s2, $0x0  }
0xff: {  	s3 =	rddreg [dreg:$0x2];
	[bflag:$0x3] =	sbarrier.arrive $0xFFFF;
	s2 =	simm.s32 @!p0 $0x1C05  }
0x100: {  	[timem:s3], [sflag:s2] =	dma.local @!p0 [hbm:s0], s1  }
0x101: {  	s0 =	simm.s32 @!p0 $0x5  }
0x102: {  	_ =	swait.ge @!p0 [sflag:s0], s1  }
0x103: {  	s1 =	ssub.s32 @!p0 $0x0, s1;
	[sflag:s0] =	ssyncset.done @!p0 $0x0  }
0x104: {  	[sflag:s0] =	ssyncadd.s32 @!p0 s1  }
0x105: {  	[bflag:$0x3] =	sbarrier.arrive $0xFFFF  }
0x106: {  	_ =	shalt  }

</sc_bundles>
